<compile_context>
chip_gen: v7x
topology: tpu7x:2x2x1
jax: 0.10.2.dev20260603
libtpu: 0.0.44.dev20260713+nightly
codegen_flags: <defaults>
</compile_context>

<pallas_src>
import jax
import jax.numpy as jnp
import numpy as np
from jax import lax
from jax.experimental import pallas as pl
from jax.experimental.pallas import tpu as pltpu
from jax.experimental.pallas import tpu_sc as plsc

_D_MODEL = 1024
_NUM_BLOCKS = 3
_SEPARATE_CLS = True
_TRUNCATE_SEQ = True
_CLS_TOKEN_TYPE_ID = 2

_TILE = 512
_GROUP = 32


def _pool_pos(pos_id, block_index):
    if _SEPARATE_CLS:
        cls_pos = np.array([-(2 ** block_index) + 1], dtype=pos_id.dtype)
        pooled = pos_id[1:-1] if _TRUNCATE_SEQ else pos_id[1:]
        return np.concatenate([cls_pos, pooled[::2]], 0)
    return pos_id[::2]


def _rel_pos(pos, stride, pooled_pos=None, shift=1):
    if pooled_pos is None:
        pooled_pos = pos
    ref_point = int(pooled_pos[0]) - int(pos[0])
    num_remove = shift * len(pooled_pos)
    max_dist = ref_point + num_remove * stride
    min_dist = int(pooled_pos[0]) - int(pos[-1])
    return np.arange(max_dist, min_dist - 1, -stride, dtype=np.int32)


def _segments(seq_len):
    pos = np.arange(0, seq_len, dtype=np.int32)
    segs = []
    for block_index in range(_NUM_BLOCKS):
        pooling_rel = None
        if block_index != 0:
            pooled_pos = _pool_pos(pos, block_index)
            stride = 2 ** (block_index - 1)
            pooling_rel = _rel_pos(pos, stride, pooled_pos, shift=2)
            pos = pooled_pos
        stride = 2 ** block_index
        rel = _rel_pos(pos, stride)
        segs.append((len(rel), int(rel[0]), stride))
        if pooling_rel is not None:
            segs.append((len(pooling_rel), int(pooling_rel[0]),
                         int(pooling_rel[0] - pooling_rel[1])))
    return segs


def _pos_tile(o_ref, tile, r0, step, half):
    shape = (8, half)
    k = jax.lax.broadcasted_iota(jnp.int32, shape, 1).astype(jnp.float32)
    f = 1.0 / jnp.exp(k * (jnp.log(10000.0) / half))
    row = tile * _TILE + jax.lax.broadcasted_iota(jnp.int32, shape, 0)
    x0 = (r0 - step * row).astype(jnp.float32) * f
    s0 = jnp.sin(x0)
    c0 = jnp.cos(x0)
    k1 = jax.lax.broadcasted_iota(jnp.int32, (1, half), 1).astype(jnp.float32)
    f1 = 1.0 / jnp.exp(k1 * (jnp.log(10000.0) / half))
    d8 = (-8 * step) * f1
    cd8 = jnp.cos(d8)
    sd8 = jnp.sin(d8)
    dg = (-_GROUP * step) * f1
    cdg = jnp.cos(dg)
    sdg = jnp.sin(dg)
    ss, cs = [s0], [c0]
    for _ in range(_GROUP // 8 - 1):
        sp, cp = ss[-1], cs[-1]
        ss.append(sp * cd8 + cp * sd8)
        cs.append(cp * cd8 - sp * sd8)
    s = jnp.concatenate(ss, axis=0)
    c = jnp.concatenate(cs, axis=0)
    o_ref[0:_GROUP, 0:half] = s
    o_ref[0:_GROUP, half:2 * half] = c

    def body(t, carry):
        s, c = carry
        s2 = s * cdg + c * sdg
        c2 = c * cdg - s * sdg
        o_ref[pl.ds(t * _GROUP, _GROUP), 0:half] = s2
        o_ref[pl.ds(t * _GROUP, _GROUP), half:2 * half] = c2
        return s2, c2

    jax.lax.fori_loop(1, _TILE // _GROUP, body, (s, c))


def _make_fused_kernel(segs, half, seq_len, row_block, mask_tiles):
    def _fused(tt_ref, np0_ref, np1_ref, p1_ref, np2_ref, p2_ref,
               ttm_ref):
        i = pl.program_id(0)
        refs = (np0_ref, np1_ref, p1_ref, np2_ref, p2_ref)
        lo = 0
        for (n_rows, r0, step), ref in zip(segs, refs):
            n_t = n_rows // _TILE

            @pl.when((i >= lo) & (i < lo + n_t))
            def _(ref=ref, r0=r0, step=step, lo=lo):
                _pos_tile(ref, i - lo, r0, step, half)

            lo += n_t

        @pl.when(i < mask_tiles)
        def _():
            a = tt_ref[:, 0, pl.ds(i * row_block, row_block)].astype(
                jnp.int8)[:, :, None]
            b = tt_ref[:, 0, :].astype(jnp.int8)[:, None, :]
            ttm_ref[...] = ((a == b) | (a == _CLS_TOKEN_TYPE_ID)
                            | (b == _CLS_TOKEN_TYPE_ID)).astype(jnp.int8)

    return _fused


def _cls_mask_sc(seq_len, dtype):
    info = plsc.get_sparse_core_info()
    n_workers = info.num_cores * info.num_subcores
    rows_per_w = seq_len // n_workers
    buf_rows = 16
    chunks = rows_per_w // buf_rows
    mesh = plsc.VectorSubcoreMesh(core_axis_name="c", subcore_axis_name="s")

    def body(out_hbm, buf):
        wid = lax.axis_index("s") * info.num_cores + lax.axis_index("c")
        lanes = lax.iota(jnp.int32, 16)
        edge = jnp.where(lanes == 0, 0.0, 1.0).astype(dtype)
        ones = jnp.full((16,), 1.0, dtype)
        zeros = jnp.full((16,), 0.0, dtype)

        def fill_row(r, val0, val):
            def fill_col(g, _):
                for u in range(8):
                    buf[r, pl.ds(g * 128 + u * 16, 16)] = val
                return 0

            lax.fori_loop(0, seq_len // 128, fill_col, 0)
            buf[r, pl.ds(0, 16)] = val0

        def fill_all(r, _):
            fill_row(r, edge, ones)
            return 0

        lax.fori_loop(0, buf_rows, fill_all, 0)
        base = wid * rows_per_w

        @pl.when(wid == 0)
        def _():
            fill_row(0, zeros, zeros)

        pltpu.sync_copy(buf, out_hbm.at[pl.ds(base, buf_rows), :])

        @pl.when(wid == 0)
        def _():
            fill_row(0, edge, ones)

        for k in range(1, chunks):
            pltpu.sync_copy(
                buf, out_hbm.at[pl.ds(base + k * buf_rows, buf_rows), :])

    return pl.kernel(
        body,
        out_type=jax.ShapeDtypeStruct((seq_len, seq_len), dtype),
        scratch_types=[pltpu.VMEM((buf_rows, seq_len), dtype)],
        mesh=mesh,
    )()


def kernel(inputs_embeds, attention_mask, token_type_ids):
    seq_len = inputs_embeds.shape[1]
    dtype = inputs_embeds.dtype
    half = _D_MODEL // 2
    batch = token_type_ids.shape[0]

    cls_mask = _cls_mask_sc(seq_len, dtype)

    segs = _segments(seq_len)
    seg_tiles = [n // _TILE for n, _, _ in segs]
    grid = sum(seg_tiles)
    row_block = 256
    mask_tiles = seq_len // row_block

    def _seg_map(lo, n_t):
        return lambda i: (jnp.clip(i - lo, 0, n_t - 1), 0)

    seg_specs = []
    lo = 0
    for n_t in seg_tiles:
        seg_specs.append(
            pl.BlockSpec((_TILE, _D_MODEL), _seg_map(lo, n_t)))
        lo += n_t

    out = pl.pallas_call(
        _make_fused_kernel(segs, half, seq_len, row_block, mask_tiles),
        grid=(grid,),
        in_specs=[pl.BlockSpec((batch, 1, seq_len), lambda i: (0, 0, 0))],
        out_specs=[
            *seg_specs,
            pl.BlockSpec((batch, row_block, seq_len),
                         lambda i: (0, jnp.clip(i, 0, mask_tiles - 1), 0)),
        ],
        out_shape=[
            *[jax.ShapeDtypeStruct((n, _D_MODEL), dtype)
              for n, _, _ in segs],
            jax.ShapeDtypeStruct((batch, seq_len, seq_len), jnp.int8),
        ],
    )(token_type_ids.reshape(batch, 1, seq_len))

    np0, np1, p1, np2, p2, ttm8 = out
    ttm = ttm8.astype(jnp.bool_)
    return (np0, np1, p1, np2, p2, ttm, attention_mask, cls_mask)

# --- scband reference (transcript-rebuilt; emitter-appended) ---
"""Pipeline reference for scband-funnel-attention-structure-74431783240136 (READ-ONLY COPY).

The authoritative reference and input builder live on the scoring server;
editing this copy changes nothing except your own understanding.
"""

import jax, jax.numpy as jnp
import numpy as np

D_MODEL = 1024
NUM_BLOCKS = 3
SEPARATE_CLS = True
TRUNCATE_SEQ = True
CLS_TOKEN_TYPE_ID = 2


def _stride_pool_pos(pos_id, block_index):
    if SEPARATE_CLS:
        cls_pos = np.array([-(2 ** block_index) + 1], dtype=pos_id.dtype)
        pooled = pos_id[1:-1] if TRUNCATE_SEQ else pos_id[1:]
        return np.concatenate([cls_pos, pooled[::2]], 0)
    return pos_id[::2]


def _relative_pos(pos, stride, pooled_pos=None, shift=1):
    if pooled_pos is None:
        pooled_pos = pos
    ref_point = int(pooled_pos[0]) - int(pos[0])
    num_remove = shift * len(pooled_pos)
    max_dist = ref_point + num_remove * stride
    min_dist = int(pooled_pos[0]) - int(pos[-1])
    return np.arange(max_dist, min_dist - 1, -stride, dtype=np.int32)


def get_position_embeds(seq_len, dtype=jnp.float32):
    # relative_shift branch of FunnelAttentionStructure.get_position_embeds
    d_model = D_MODEL
    freq_seq = jnp.arange(0, d_model // 2, 1.0, dtype=dtype)
    inv_freq = 1.0 / 10000 ** (freq_seq / (d_model // 2))
    rel_pos_id = jnp.arange(-seq_len * 2, seq_len * 2, 1.0, dtype=dtype)
    zero_offset = seq_len * 2
    sinusoid = rel_pos_id[:, None] * inv_freq[None]
    sin_embed = jnp.sin(sinusoid)  # dropout is identity (deterministic=True)
    cos_embed = jnp.cos(sinusoid)
    pos_embed = jnp.concatenate([sin_embed, cos_embed], axis=-1)  # [4*seq_len, d_model]
    pos = np.arange(0, seq_len, dtype=np.int32)
    pooled_pos = pos
    position_embeds_list = []
    for block_index in range(NUM_BLOCKS):
        if block_index == 0:
            position_embeds_pooling = None
        else:
            pooled_pos = _stride_pool_pos(pos, block_index)
            stride = 2 ** (block_index - 1)
            rel_pos = _relative_pos(pos, stride, pooled_pos, shift=2)
            rel_pos = rel_pos[:, None] + zero_offset
            rel_pos = np.broadcast_to(rel_pos, (rel_pos.shape[0], d_model))
            position_embeds_pooling = jnp.take_along_axis(pos_embed, jnp.asarray(rel_pos), 0)
        pos = pooled_pos
        stride = 2 ** block_index
        rel_pos = _relative_pos(pos, stride)
        rel_pos = rel_pos[:, None] + zero_offset
        rel_pos = np.broadcast_to(rel_pos, (rel_pos.shape[0], d_model))
        position_embeds_no_pooling = jnp.take_along_axis(pos_embed, jnp.asarray(rel_pos), 0)
        position_embeds_list.append([position_embeds_no_pooling, position_embeds_pooling])
    return position_embeds_list


def token_type_ids_to_mat(token_type_ids):
    token_type_mat = token_type_ids[:, :, None] == token_type_ids[:, None]
    cls_ids = token_type_ids == CLS_TOKEN_TYPE_ID
    cls_mat = cls_ids[:, :, None] | cls_ids[:, None]
    return cls_mat | token_type_mat


def setup_inputs(seed: int = 0) -> dict:
    key = jax.random.key(seed)
    k1, k2 = jax.random.split(key)
    inputs_embeds = jax.random.normal(k1, (2, 2048, 1024), dtype=jnp.float32)
    attention_mask = jnp.ones((2, 2048), dtype=jnp.float32)
    token_type_ids = jax.random.randint(k2, (2, 2048), 0, 3)
    return {
        "inputs_embeds": inputs_embeds,
        "attention_mask": attention_mask,
        "token_type_ids": token_type_ids,
    }


def reference(inputs_embeds, attention_mask, token_type_ids):
    # init_attention_inputs
    seq_len = inputs_embeds.shape[1]
    position_embeds = get_position_embeds(seq_len, inputs_embeds.dtype)
    token_type_mat = token_type_ids_to_mat(token_type_ids)
    cls_mask = (
        jnp.pad(jnp.ones([seq_len - 1, seq_len - 1], dtype=inputs_embeds.dtype), (1, 0))
        if SEPARATE_CLS
        else None
    )
    flat_pos = [t for pair in position_embeds for t in pair if t is not None]
    return (*flat_pos, token_type_mat, attention_mask, cls_mask)

if __name__ == "__main__":
    import jax
    _d = setup_inputs()
    print(jax.jit(kernel)(*tuple(_d.values())))

</pallas_src>

<mosaic_0001>
#map = affine_map<(d0, d1) -> (0, 0)>
module attributes {stable_mosaic.version = 14 : i64} {
  func.func @body(%arg0: i32, %arg1: i32, %arg2: memref<2048x2048xf32, #tpu.memory_space<hbm>>, %arg3: memref<16x2048xf32, #tpu.memory_space<vmem>>) attributes {dimension_semantics = [#tpu.dimension_semantics<core_parallel>, #tpu.dimension_semantics<subcore_parallel>], iteration_bounds = array<i64: 2, 16>, scalar_prefetch = 0 : i64, scratch_operands = 1 : i64, tpu.core_type = #tpu.core_type<sc_vector_subcore>, window_params = [{transform_indices = #map}]} {
    %mul3A = arith.constant 2 : i32
    %mul3A_0 = arith.muli %arg1, %mul3A : i32
    %add3A = arith.addi %mul3A_0, %arg0 : i32
    %iota3A = tpu.iota {dimensions = array<i32: 0>} : vector<16xi32>
    %eq3A = arith.constant 0 : i32
    %eq3A_1 = vector.broadcast %eq3A : i32 to vector<16xi32>
    %eq3A_2 = arith.cmpi eq, %iota3A, %eq3A_1 : vector<16xi32>
    %jit3A = arith.constant 0.000000e+00 : f32
    %jit3A_3 = arith.constant 1.000000e+00 : f32
    %broadcast_in_dim3A = vector.broadcast %jit3A : f32 to vector<16xf32>
    %broadcast_in_dim3A_4 = vector.broadcast %jit3A_3 : f32 to vector<16xf32>
    %select_n3A = arith.select %eq3A_2, %broadcast_in_dim3A, %broadcast_in_dim3A_4 : vector<16xi1>, vector<16xf32>
    %broadcast_in_dim3A_5 = arith.constant 1.000000e+00 : f32
    %broadcast_in_dim3A_6 = vector.broadcast %broadcast_in_dim3A_5 : f32 to vector<16xf32>
    %broadcast_in_dim3A_7 = arith.constant 0.000000e+00 : f32
    %broadcast_in_dim3A_8 = vector.broadcast %broadcast_in_dim3A_7 : f32 to vector<16xf32>
    %scan3A = arith.constant 0 : i32
    %scan3A_9 = arith.constant 0 : i32
    %scan3A_10 = arith.constant 16 : i32
    %scan3A_11 = arith.addi %scan3A_9, %scan3A_10 : i32
    %scan3A_12 = arith.constant 1 : i32
    %scan3A_13 = scf.for %scan3A_31 = %scan3A_9 to %scan3A_11 step %scan3A_12 iter_args(%scan3A_32 = %scan3A) -> (i32)  : i32 {
      %scan3A_33 = arith.constant 0 : i32
      %scan3A_34 = arith.constant 0 : i32
      %scan3A_35 = arith.constant 16 : i32
      %scan3A_36 = arith.addi %scan3A_34, %scan3A_35 : i32
      %scan3A_37 = arith.constant 1 : i32
      %scan3A_38 = scf.for %scan3A_45 = %scan3A_34 to %scan3A_36 step %scan3A_37 iter_args(%scan3A_46 = %scan3A_33) -> (i32)  : i32 {
        %mul3A_47 = arith.constant 128 : i32
        %mul3A_48 = arith.muli %scan3A_45, %mul3A_47 : i32
        %add3A_49 = arith.constant 0 : i32
        %add3A_50 = arith.addi %mul3A_48, %add3A_49 : i32
        %swap3A_51 = arith.index_cast %scan3A_31 : i32 to index
        %swap3A_52 = arith.index_cast %add3A_50 : i32 to index
        %swap3A_53 = tpu.vector_load %arg3[%swap3A_51, %swap3A_52] {strides = array<i32>} : memref<16x2048xf32, #tpu.memory_space<vmem>>, vector<1x16xf32>,
        %swap3A_54 = vector.shape_cast %swap3A_53 : vector<1x16xf32> to vector<16xf32>
        %swap3A_55 = vector.shape_cast %broadcast_in_dim3A_6 : vector<16xf32> to vector<1x16xf32>
        tpu.vector_store %arg3[%swap3A_51, %swap3A_52], %swap3A_55 {strides = array<i32>} : memref<16x2048xf32, #tpu.memory_space<vmem>>, vector<1x16xf32>,
        %mul3A_56 = arith.constant 128 : i32
        %mul3A_57 = arith.muli %scan3A_45, %mul3A_56 : i32
        %add3A_58 = arith.constant 16 : i32
        %add3A_59 = arith.addi %mul3A_57, %add3A_58 : i32
        %swap3A_60 = arith.index_cast %scan3A_31 : i32 to index
        %swap3A_61 = arith.index_cast %add3A_59 : i32 to index
        %swap3A_62 = tpu.vector_load %arg3[%swap3A_60, %swap3A_61] {strides = array<i32>} : memref<16x2048xf32, #tpu.memory_space<vmem>>, vector<1x16xf32>,
        %swap3A_63 = vector.shape_cast %swap3A_62 : vector<1x16xf32> to vector<16xf32>
        %swap3A_64 = vector.shape_cast %broadcast_in_dim3A_6 : vector<16xf32> to vector<1x16xf32>
        tpu.vector_store %arg3[%swap3A_60, %swap3A_61], %swap3A_64 {strides = array<i32>} : memref<16x2048xf32, #tpu.memory_space<vmem>>, vector<1x16xf32>,
        %mul3A_65 = arith.constant 128 : i32
        %mul3A_66 = arith.muli %scan3A_45, %mul3A_65 : i32
        %add3A_67 = arith.constant 32 : i32
        %add3A_68 = arith.addi %mul3A_66, %add3A_67 : i32
        %swap3A_69 = arith.index_cast %scan3A_31 : i32 to index
        %swap3A_70 = arith.index_cast %add3A_68 : i32 to index
        %swap3A_71 = tpu.vector_load %arg3[%swap3A_69, %swap3A_70] {strides = array<i32>} : memref<16x2048xf32, #tpu.memory_space<vmem>>, vector<1x16xf32>,
        %swap3A_72 = vector.shape_cast %swap3A_71 : vector<1x16xf32> to vector<16xf32>
        %swap3A_73 = vector.shape_cast %broadcast_in_dim3A_6 : vector<16xf32> to vector<1x16xf32>
        tpu.vector_store %arg3[%swap3A_69, %swap3A_70], %swap3A_73 {strides = array<i32>} : memref<16x2048xf32, #tpu.memory_space<vmem>>, vector<1x16xf32>,
        %mul3A_74 = arith.constant 128 : i32
        %mul3A_75 = arith.muli %scan3A_45, %mul3A_74 : i32
        %add3A_76 = arith.constant 48 : i32
        %add3A_77 = arith.addi %mul3A_75, %add3A_76 : i32
        %swap3A_78 = arith.index_cast %scan3A_31 : i32 to index
        %swap3A_79 = arith.index_cast %add3A_77 : i32 to index
        %swap3A_80 = tpu.vector_load %arg3[%swap3A_78, %swap3A_79] {strides = array<i32>} : memref<16x2048xf32, #tpu.memory_space<vmem>>, vector<1x16xf32>,
        %swap3A_81 = vector.shape_cast %swap3A_80 : vector<1x16xf32> to vector<16xf32>
        %swap3A_82 = vector.shape_cast %broadcast_in_dim3A_6 : vector<16xf32> to vector<1x16xf32>
        tpu.vector_store %arg3[%swap3A_78, %swap3A_79], %swap3A_82 {strides = array<i32>} : memref<16x2048xf32, #tpu.memory_space<vmem>>, vector<1x16xf32>,
        %mul3A_83 = arith.constant 128 : i32
        %mul3A_84 = arith.muli %scan3A_45, %mul3A_83 : i32
        %add3A_85 = arith.constant 64 : i32
        %add3A_86 = arith.addi %mul3A_84, %add3A_85 : i32
        %swap3A_87 = arith.index_cast %scan3A_31 : i32 to index
        %swap3A_88 = arith.index_cast %add3A_86 : i32 to index
        %swap3A_89 = tpu.vector_load %arg3[%swap3A_87, %swap3A_88] {strides = array<i32>} : memref<16x2048xf32, #tpu.memory_space<vmem>>, vector<1x16xf32>,
        %swap3A_90 = vector.shape_cast %swap3A_89 : vector<1x16xf32> to vector<16xf32>
        %swap3A_91 = vector.shape_cast %broadcast_in_dim3A_6 : vector<16xf32> to vector<1x16xf32>
        tpu.vector_store %arg3[%swap3A_87, %swap3A_88], %swap3A_91 {strides = array<i32>} : memref<16x2048xf32, #tpu.memory_space<vmem>>, vector<1x16xf32>,
        %mul3A_92 = arith.constant 128 : i32
        %mul3A_93 = arith.muli %scan3A_45, %mul3A_92 : i32
        %add3A_94 = arith.constant 80 : i32
        %add3A_95 = arith.addi %mul3A_93, %add3A_94 : i32
        %swap3A_96 = arith.index_cast %scan3A_31 : i32 to index
        %swap3A_97 = arith.index_cast %add3A_95 : i32 to index
        %swap3A_98 = tpu.vector_load %arg3[%swap3A_96, %swap3A_97] {strides = array<i32>} : memref<16x2048xf32, #tpu.memory_space<vmem>>, vector<1x16xf32>,
        %swap3A_99 = vector.shape_cast %swap3A_98 : vector<1x16xf32> to vector<16xf32>
        %swap3A_100 = vector.shape_cast %broadcast_in_dim3A_6 : vector<16xf32> to vector<1x16xf32>
        tpu.vector_store %arg3[%swap3A_96, %swap3A_97], %swap3A_100 {strides = array<i32>} : memref<16x2048xf32, #tpu.memory_space<vmem>>, vector<1x16xf32>,
        %mul3A_101 = arith.constant 128 : i32
        %mul3A_102 = arith.muli %scan3A_45, %mul3A_101 : i32
        %add3A_103 = arith.constant 96 : i32
        %add3A_104 = arith.addi %mul3A_102, %add3A_103 : i32
        %swap3A_105 = arith.index_cast %scan3A_31 : i32 to index
        %swap3A_106 = arith.index_cast %add3A_104 : i32 to index
        %swap3A_107 = tpu.vector_load %arg3[%swap3A_105, %swap3A_106] {strides = array<i32>} : memref<16x2048xf32, #tpu.memory_space<vmem>>, vector<1x16xf32>,
        %swap3A_108 = vector.shape_cast %swap3A_107 : vector<1x16xf32> to vector<16xf32>
        %swap3A_109 = vector.shape_cast %broadcast_in_dim3A_6 : vector<16xf32> to vector<1x16xf32>
        tpu.vector_store %arg3[%swap3A_105, %swap3A_106], %swap3A_109 {strides = array<i32>} : memref<16x2048xf32, #tpu.memory_space<vmem>>, vector<1x16xf32>,
        %mul3A_110 = arith.constant 128 : i32
        %mul3A_111 = arith.muli %scan3A_45, %mul3A_110 : i32
        %add3A_112 = arith.constant 112 : i32
        %add3A_113 = arith.addi %mul3A_111, %add3A_112 : i32
        %swap3A_114 = arith.index_cast %scan3A_31 : i32 to index
        %swap3A_115 = arith.index_cast %add3A_113 : i32 to index
        %swap3A_116 = tpu.vector_load %arg3[%swap3A_114, %swap3A_115] {strides = array<i32>} : memref<16x2048xf32, #tpu.memory_space<vmem>>, vector<1x16xf32>,
        %swap3A_117 = vector.shape_cast %swap3A_116 : vector<1x16xf32> to vector<16xf32>
        %swap3A_118 = vector.shape_cast %broadcast_in_dim3A_6 : vector<16xf32> to vector<1x16xf32>
        tpu.vector_store %arg3[%swap3A_114, %swap3A_115], %swap3A_118 {strides = array<i32>} : memref<16x2048xf32, #tpu.memory_space<vmem>>, vector<1x16xf32>,
        %scan3A_119 = arith.constant 0 : i32
        scf.yield %scan3A_119 : i32
      }
      %scan3A_39 = arith.constant 16 : i32
      %swap3A = arith.index_cast %scan3A_31 : i32 to index
      %swap3A_40 = arith.constant 0 : index
      %swap3A_41 = tpu.vector_load %arg3[%swap3A, %swap3A_40] {strides = array<i32>} : memref<16x2048xf32, #tpu.memory_space<vmem>>, vector<1x16xf32>,
      %swap3A_42 = vector.shape_cast %swap3A_41 : vector<1x16xf32> to vector<16xf32>
      %swap3A_43 = vector.shape_cast %select_n3A : vector<16xf32> to vector<1x16xf32>
      tpu.vector_store %arg3[%swap3A, %swap3A_40], %swap3A_43 {strides = array<i32>} : memref<16x2048xf32, #tpu.memory_space<vmem>>, vector<1x16xf32>,
      %scan3A_44 = arith.constant 0 : i32
      scf.yield %scan3A_44 : i32
    }
    %scan3A_14 = arith.constant 16 : i32
    %mul3A_15 = arith.constant 64 : i32
    %mul3A_16 = arith.muli %add3A, %mul3A_15 : i32
    %eq3A_17 = arith.constant 0 : i32
    %eq3A_18 = arith.cmpi eq, %add3A, %eq3A_17 : i32
    %convert_element_type3A = arith.extui %eq3A_18 : i1 to i32
    %cond3A = arith.constant 0 : i32
    %cond3A_19 = arith.cmpi ne, %convert_element_type3A, %cond3A : i32
    scf.if %cond3A_19 {
      %scan3A_31 = arith.constant 0 : i32
      %scan3A_32 = arith.constant 0 : i32
      %scan3A_33 = arith.constant 16 : i32
      %scan3A_34 = arith.addi %scan3A_32, %scan3A_33 : i32
      %scan3A_35 = arith.constant 1 : i32
      %scan3A_36 = scf.for %scan3A_43 = %scan3A_32 to %scan3A_34 step %scan3A_35 iter_args(%scan3A_44 = %scan3A_31) -> (i32)  : i32 {
        %mul3A_45 = arith.constant 128 : i32
        %mul3A_46 = arith.muli %scan3A_43, %mul3A_45 : i32
        %add3A_47 = arith.constant 0 : i32
        %add3A_48 = arith.addi %mul3A_46, %add3A_47 : i32
        %swap3A_49 = arith.constant 0 : i32
        %swap3A_50 = arith.index_cast %swap3A_49 : i32 to index
        %swap3A_51 = arith.index_cast %add3A_48 : i32 to index
        %swap3A_52 = tpu.vector_load %arg3[%swap3A_50, %swap3A_51] {strides = array<i32>} : memref<16x2048xf32, #tpu.memory_space<vmem>>, vector<1x16xf32>,
        %swap3A_53 = vector.shape_cast %swap3A_52 : vector<1x16xf32> to vector<16xf32>
        %swap3A_54 = vector.shape_cast %broadcast_in_dim3A_8 : vector<16xf32> to vector<1x16xf32>
        tpu.vector_store %arg3[%swap3A_50, %swap3A_51], %swap3A_54 {strides = array<i32>} : memref<16x2048xf32, #tpu.memory_space<vmem>>, vector<1x16xf32>,
        %mul3A_55 = arith.constant 128 : i32
        %mul3A_56 = arith.muli %scan3A_43, %mul3A_55 : i32
        %add3A_57 = arith.constant 16 : i32
        %add3A_58 = arith.addi %mul3A_56, %add3A_57 : i32
        %swap3A_59 = arith.constant 0 : i32
        %swap3A_60 = arith.index_cast %swap3A_59 : i32 to index
        %swap3A_61 = arith.index_cast %add3A_58 : i32 to index
        %swap3A_62 = tpu.vector_load %arg3[%swap3A_60, %swap3A_61] {strides = array<i32>} : memref<16x2048xf32, #tpu.memory_space<vmem>>, vector<1x16xf32>,
        %swap3A_63 = vector.shape_cast %swap3A_62 : vector<1x16xf32> to vector<16xf32>
        %swap3A_64 = vector.shape_cast %broadcast_in_dim3A_8 : vector<16xf32> to vector<1x16xf32>
        tpu.vector_store %arg3[%swap3A_60, %swap3A_61], %swap3A_64 {strides = array<i32>} : memref<16x2048xf32, #tpu.memory_space<vmem>>, vector<1x16xf32>,
        %mul3A_65 = arith.constant 128 : i32
        %mul3A_66 = arith.muli %scan3A_43, %mul3A_65 : i32
        %add3A_67 = arith.constant 32 : i32
        %add3A_68 = arith.addi %mul3A_66, %add3A_67 : i32
        %swap3A_69 = arith.constant 0 : i32
        %swap3A_70 = arith.index_cast %swap3A_69 : i32 to index
        %swap3A_71 = arith.index_cast %add3A_68 : i32 to index
        %swap3A_72 = tpu.vector_load %arg3[%swap3A_70, %swap3A_71] {strides = array<i32>} : memref<16x2048xf32, #tpu.memory_space<vmem>>, vector<1x16xf32>,
        %swap3A_73 = vector.shape_cast %swap3A_72 : vector<1x16xf32> to vector<16xf32>
        %swap3A_74 = vector.shape_cast %broadcast_in_dim3A_8 : vector<16xf32> to vector<1x16xf32>
        tpu.vector_store %arg3[%swap3A_70, %swap3A_71], %swap3A_74 {strides = array<i32>} : memref<16x2048xf32, #tpu.memory_space<vmem>>, vector<1x16xf32>,
        %mul3A_75 = arith.constant 128 : i32
        %mul3A_76 = arith.muli %scan3A_43, %mul3A_75 : i32
        %add3A_77 = arith.constant 48 : i32
        %add3A_78 = arith.addi %mul3A_76, %add3A_77 : i32
        %swap3A_79 = arith.constant 0 : i32
        %swap3A_80 = arith.index_cast %swap3A_79 : i32 to index
        %swap3A_81 = arith.index_cast %add3A_78 : i32 to index
        %swap3A_82 = tpu.vector_load %arg3[%swap3A_80, %swap3A_81] {strides = array<i32>} : memref<16x2048xf32, #tpu.memory_space<vmem>>, vector<1x16xf32>,
        %swap3A_83 = vector.shape_cast %swap3A_82 : vector<1x16xf32> to vector<16xf32>
        %swap3A_84 = vector.shape_cast %broadcast_in_dim3A_8 : vector<16xf32> to vector<1x16xf32>
        tpu.vector_store %arg3[%swap3A_80, %swap3A_81], %swap3A_84 {strides = array<i32>} : memref<16x2048xf32, #tpu.memory_space<vmem>>, vector<1x16xf32>,
        %mul3A_85 = arith.constant 128 : i32
        %mul3A_86 = arith.muli %scan3A_43, %mul3A_85 : i32
        %add3A_87 = arith.constant 64 : i32
        %add3A_88 = arith.addi %mul3A_86, %add3A_87 : i32
        %swap3A_89 = arith.constant 0 : i32
        %swap3A_90 = arith.index_cast %swap3A_89 : i32 to index
        %swap3A_91 = arith.index_cast %add3A_88 : i32 to index
        %swap3A_92 = tpu.vector_load %arg3[%swap3A_90, %swap3A_91] {strides = array<i32>} : memref<16x2048xf32, #tpu.memory_space<vmem>>, vector<1x16xf32>,
        %swap3A_93 = vector.shape_cast %swap3A_92 : vector<1x16xf32> to vector<16xf32>
        %swap3A_94 = vector.shape_cast %broadcast_in_dim3A_8 : vector<16xf32> to vector<1x16xf32>
        tpu.vector_store %arg3[%swap3A_90, %swap3A_91], %swap3A_94 {strides = array<i32>} : memref<16x2048xf32, #tpu.memory_space<vmem>>, vector<1x16xf32>,
        %mul3A_95 = arith.constant 128 : i32
        %mul3A_96 = arith.muli %scan3A_43, %mul3A_95 : i32
        %add3A_97 = arith.constant 80 : i32
        %add3A_98 = arith.addi %mul3A_96, %add3A_97 : i32
        %swap3A_99 = arith.constant 0 : i32
        %swap3A_100 = arith.index_cast %swap3A_99 : i32 to index
        %swap3A_101 = arith.index_cast %add3A_98 : i32 to index
        %swap3A_102 = tpu.vector_load %arg3[%swap3A_100, %swap3A_101] {strides = array<i32>} : memref<16x2048xf32, #tpu.memory_space<vmem>>, vector<1x16xf32>,
        %swap3A_103 = vector.shape_cast %swap3A_102 : vector<1x16xf32> to vector<16xf32>
        %swap3A_104 = vector.shape_cast %broadcast_in_dim3A_8 : vector<16xf32> to vector<1x16xf32>
        tpu.vector_store %arg3[%swap3A_100, %swap3A_101], %swap3A_104 {strides = array<i32>} : memref<16x2048xf32, #tpu.memory_space<vmem>>, vector<1x16xf32>,
        %mul3A_105 = arith.constant 128 : i32
        %mul3A_106 = arith.muli %scan3A_43, %mul3A_105 : i32
        %add3A_107 = arith.constant 96 : i32
        %add3A_108 = arith.addi %mul3A_106, %add3A_107 : i32
        %swap3A_109 = arith.constant 0 : i32
        %swap3A_110 = arith.index_cast %swap3A_109 : i32 to index
        %swap3A_111 = arith.index_cast %add3A_108 : i32 to index
        %swap3A_112 = tpu.vector_load %arg3[%swap3A_110, %swap3A_111] {strides = array<i32>} : memref<16x2048xf32, #tpu.memory_space<vmem>>, vector<1x16xf32>,
        %swap3A_113 = vector.shape_cast %swap3A_112 : vector<1x16xf32> to vector<16xf32>
        %swap3A_114 = vector.shape_cast %broadcast_in_dim3A_8 : vector<16xf32> to vector<1x16xf32>
        tpu.vector_store %arg3[%swap3A_110, %swap3A_111], %swap3A_114 {strides = array<i32>} : memref<16x2048xf32, #tpu.memory_space<vmem>>, vector<1x16xf32>,
        %mul3A_115 = arith.constant 128 : i32
        %mul3A_116 = arith.muli %scan3A_43, %mul3A_115 : i32
        %add3A_117 = arith.constant 112 : i32
        %add3A_118 = arith.addi %mul3A_116, %add3A_117 : i32
        %swap3A_119 = arith.constant 0 : i32
        %swap3A_120 = arith.index_cast %swap3A_119 : i32 to index
        %swap3A_121 = arith.index_cast %add3A_118 : i32 to index
        %swap3A_122 = tpu.vector_load %arg3[%swap3A_120, %swap3A_121] {strides = array<i32>} : memref<16x2048xf32, #tpu.memory_space<vmem>>, vector<1x16xf32>,
        %swap3A_123 = vector.shape_cast %swap3A_122 : vector<1x16xf32> to vector<16xf32>
        %swap3A_124 = vector.shape_cast %broadcast_in_dim3A_8 : vector<16xf32> to vector<1x16xf32>
        tpu.vector_store %arg3[%swap3A_120, %swap3A_121], %swap3A_124 {strides = array<i32>} : memref<16x2048xf32, #tpu.memory_space<vmem>>, vector<1x16xf32>,
        %scan3A_125 = arith.constant 0 : i32
        scf.yield %scan3A_125 : i32
      }
      %scan3A_37 = arith.constant 16 : i32
      %swap3A = arith.constant 0 : i32
      %swap3A_38 = arith.index_cast %swap3A : i32 to index
      %swap3A_39 = arith.constant 0 : index
      %swap3A_40 = tpu.vector_load %arg3[%swap3A_38, %swap3A_39] {strides = array<i32>} : memref<16x2048xf32, #tpu.memory_space<vmem>>, vector<1x16xf32>,
      %swap3A_41 = vector.shape_cast %swap3A_40 : vector<1x16xf32> to vector<16xf32>
      %swap3A_42 = vector.shape_cast %broadcast_in_dim3A_8 : vector<16xf32> to vector<1x16xf32>
      tpu.vector_store %arg3[%swap3A_38, %swap3A_39], %swap3A_42 {strides = array<i32>} : memref<16x2048xf32, #tpu.memory_space<vmem>>, vector<1x16xf32>,
    } else {
    }
    "tpu.region"() ({
      %run_scoped3A = tpu.sem_alloc : memref<!tpu.dma_semaphore, #tpu.memory_space<semaphore_mem>>
      %dma_start3A = arith.constant 0 : i32
      %dma_start3A_31 = tpu.memref_slice %arg2[%mul3A_16, %dma_start3A] : memref<2048x2048xf32, #tpu.memory_space<hbm>> -> memref<16x2048xf32, #tpu.memory_space<hbm>>
      %dma_start3A_32 = arith.constant 0 : i32
      %dma_start3A_33 = tpu.memref_slice %arg2[%mul3A_16, %dma_start3A_32] : memref<2048x2048xf32, #tpu.memory_space<hbm>> -> memref<16x2048xf32, #tpu.memory_space<hbm>>
      tpu.enqueue_dma source(%arg3 : memref<16x2048xf32, #tpu.memory_space<vmem>>) target(%dma_start3A_33 : memref<16x2048xf32, #tpu.memory_space<hbm>>) target_semaphore(%run_scoped3A : memref<!tpu.dma_semaphore, #tpu.memory_space<semaphore_mem>>)
      %dma_wait3A = arith.constant 0 : i32
      %dma_wait3A_34 = tpu.memref_slice %arg2[%mul3A_16, %dma_wait3A] : memref<2048x2048xf32, #tpu.memory_space<hbm>> -> memref<16x2048xf32, #tpu.memory_space<hbm>>
      %dma_wait3A_35 = arith.constant 0 : i32
      %dma_wait3A_36 = tpu.memref_slice %arg2[%mul3A_16, %dma_wait3A_35] : memref<2048x2048xf32, #tpu.memory_space<hbm>> -> memref<16x2048xf32, #tpu.memory_space<hbm>>
      tpu.wait_dma2 semaphore(%run_scoped3A : memref<!tpu.dma_semaphore, #tpu.memory_space<semaphore_mem>>) src(%arg3 : memref<16x2048xf32, #tpu.memory_space<vmem>>) dst(%dma_wait3A_36 : memref<16x2048xf32, #tpu.memory_space<hbm>>)
      tpu.yield
    }) : () -> ()
    %eq3A_20 = arith.constant 0 : i32
    %eq3A_21 = arith.cmpi eq, %add3A, %eq3A_20 : i32
    %convert_element_type3A_22 = arith.extui %eq3A_21 : i1 to i32
    %cond3A_23 = arith.constant 0 : i32
    %cond3A_24 = arith.cmpi ne, %convert_element_type3A_22, %cond3A_23 : i32
    scf.if %cond3A_24 {
      %scan3A_31 = arith.constant 0 : i32
      %scan3A_32 = arith.constant 0 : i32
      %scan3A_33 = arith.constant 16 : i32
      %scan3A_34 = arith.addi %scan3A_32, %scan3A_33 : i32
      %scan3A_35 = arith.constant 1 : i32
      %scan3A_36 = scf.for %scan3A_43 = %scan3A_32 to %scan3A_34 step %scan3A_35 iter_args(%scan3A_44 = %scan3A_31) -> (i32)  : i32 {
        %mul3A_45 = arith.constant 128 : i32
        %mul3A_46 = arith.muli %scan3A_43, %mul3A_45 : i32
        %add3A_47 = arith.constant 0 : i32
        %add3A_48 = arith.addi %mul3A_46, %add3A_47 : i32
        %swap3A_49 = arith.constant 0 : i32
        %swap3A_50 = arith.index_cast %swap3A_49 : i32 to index
        %swap3A_51 = arith.index_cast %add3A_48 : i32 to index
        %swap3A_52 = tpu.vector_load %arg3[%swap3A_50, %swap3A_51] {strides = array<i32>} : memref<16x2048xf32, #tpu.memory_space<vmem>>, vector<1x16xf32>,
        %swap3A_53 = vector.shape_cast %swap3A_52 : vector<1x16xf32> to vector<16xf32>
        %swap3A_54 = vector.shape_cast %broadcast_in_dim3A_6 : vector<16xf32> to vector<1x16xf32>
        tpu.vector_store %arg3[%swap3A_50, %swap3A_51], %swap3A_54 {strides = array<i32>} : memref<16x2048xf32, #tpu.memory_space<vmem>>, vector<1x16xf32>,
        %mul3A_55 = arith.constant 128 : i32
        %mul3A_56 = arith.muli %scan3A_43, %mul3A_55 : i32
        %add3A_57 = arith.constant 16 : i32
        %add3A_58 = arith.addi %mul3A_56, %add3A_57 : i32
        %swap3A_59 = arith.constant 0 : i32
        %swap3A_60 = arith.index_cast %swap3A_59 : i32 to index
        %swap3A_61 = arith.index_cast %add3A_58 : i32 to index
        %swap3A_62 = tpu.vector_load %arg3[%swap3A_60, %swap3A_61] {strides = array<i32>} : memref<16x2048xf32, #tpu.memory_space<vmem>>, vector<1x16xf32>,
        %swap3A_63 = vector.shape_cast %swap3A_62 : vector<1x16xf32> to vector<16xf32>
        %swap3A_64 = vector.shape_cast %broadcast_in_dim3A_6 : vector<16xf32> to vector<1x16xf32>
        tpu.vector_store %arg3[%swap3A_60, %swap3A_61], %swap3A_64 {strides = array<i32>} : memref<16x2048xf32, #tpu.memory_space<vmem>>, vector<1x16xf32>,
        %mul3A_65 = arith.constant 128 : i32
        %mul3A_66 = arith.muli %scan3A_43, %mul3A_65 : i32
        %add3A_67 = arith.constant 32 : i32
        %add3A_68 = arith.addi %mul3A_66, %add3A_67 : i32
        %swap3A_69 = arith.constant 0 : i32
        %swap3A_70 = arith.index_cast %swap3A_69 : i32 to index
        %swap3A_71 = arith.index_cast %add3A_68 : i32 to index
        %swap3A_72 = tpu.vector_load %arg3[%swap3A_70, %swap3A_71] {strides = array<i32>} : memref<16x2048xf32, #tpu.memory_space<vmem>>, vector<1x16xf32>,
        %swap3A_73 = vector.shape_cast %swap3A_72 : vector<1x16xf32> to vector<16xf32>
        %swap3A_74 = vector.shape_cast %broadcast_in_dim3A_6 : vector<16xf32> to vector<1x16xf32>
        tpu.vector_store %arg3[%swap3A_70, %swap3A_71], %swap3A_74 {strides = array<i32>} : memref<16x2048xf32, #tpu.memory_space<vmem>>, vector<1x16xf32>,
        %mul3A_75 = arith.constant 128 : i32
        %mul3A_76 = arith.muli %scan3A_43, %mul3A_75 : i32
        %add3A_77 = arith.constant 48 : i32
        %add3A_78 = arith.addi %mul3A_76, %add3A_77 : i32
        %swap3A_79 = arith.constant 0 : i32
        %swap3A_80 = arith.index_cast %swap3A_79 : i32 to index
        %swap3A_81 = arith.index_cast %add3A_78 : i32 to index
        %swap3A_82 = tpu.vector_load %arg3[%swap3A_80, %swap3A_81] {strides = array<i32>} : memref<16x2048xf32, #tpu.memory_space<vmem>>, vector<1x16xf32>,
        %swap3A_83 = vector.shape_cast %swap3A_82 : vector<1x16xf32> to vector<16xf32>
        %swap3A_84 = vector.shape_cast %broadcast_in_dim3A_6 : vector<16xf32> to vector<1x16xf32>
        tpu.vector_store %arg3[%swap3A_80, %swap3A_81], %swap3A_84 {strides = array<i32>} : memref<16x2048xf32, #tpu.memory_space<vmem>>, vector<1x16xf32>,
        %mul3A_85 = arith.constant 128 : i32
        %mul3A_86 = arith.muli %scan3A_43, %mul3A_85 : i32
        %add3A_87 = arith.constant 64 : i32
        %add3A_88 = arith.addi %mul3A_86, %add3A_87 : i32
        %swap3A_89 = arith.constant 0 : i32
        %swap3A_90 = arith.index_cast %swap3A_89 : i32 to index
        %swap3A_91 = arith.index_cast %add3A_88 : i32 to index
        %swap3A_92 = tpu.vector_load %arg3[%swap3A_90, %swap3A_91] {strides = array<i32>} : memref<16x2048xf32, #tpu.memory_space<vmem>>, vector<1x16xf32>,
        %swap3A_93 = vector.shape_cast %swap3A_92 : vector<1x16xf32> to vector<16xf32>
        %swap3A_94 = vector.shape_cast %broadcast_in_dim3A_6 : vector<16xf32> to vector<1x16xf32>
        tpu.vector_store %arg3[%swap3A_90, %swap3A_91], %swap3A_94 {strides = array<i32>} : memref<16x2048xf32, #tpu.memory_space<vmem>>, vector<1x16xf32>,
        %mul3A_95 = arith.constant 128 : i32
        %mul3A_96 = arith.muli %scan3A_43, %mul3A_95 : i32
        %add3A_97 = arith.constant 80 : i32
        %add3A_98 = arith.addi %mul3A_96, %add3A_97 : i32
        %swap3A_99 = arith.constant 0 : i32
        %swap3A_100 = arith.index_cast %swap3A_99 : i32 to index
        %swap3A_101 = arith.index_cast %add3A_98 : i32 to index
        %swap3A_102 = tpu.vector_load %arg3[%swap3A_100, %swap3A_101] {strides = array<i32>} : memref<16x2048xf32, #tpu.memory_space<vmem>>, vector<1x16xf32>,
        %swap3A_103 = vector.shape_cast %swap3A_102 : vector<1x16xf32> to vector<16xf32>
        %swap3A_104 = vector.shape_cast %broadcast_in_dim3A_6 : vector<16xf32> to vector<1x16xf32>
        tpu.vector_store %arg3[%swap3A_100, %swap3A_101], %swap3A_104 {strides = array<i32>} : memref<16x2048xf32, #tpu.memory_space<vmem>>, vector<1x16xf32>,
        %mul3A_105 = arith.constant 128 : i32
        %mul3A_106 = arith.muli %scan3A_43, %mul3A_105 : i32
        %add3A_107 = arith.constant 96 : i32
        %add3A_108 = arith.addi %mul3A_106, %add3A_107 : i32
        %swap3A_109 = arith.constant 0 : i32
        %swap3A_110 = arith.index_cast %swap3A_109 : i32 to index
        %swap3A_111 = arith.index_cast %add3A_108 : i32 to index
        %swap3A_112 = tpu.vector_load %arg3[%swap3A_110, %swap3A_111] {strides = array<i32>} : memref<16x2048xf32, #tpu.memory_space<vmem>>, vector<1x16xf32>,
        %swap3A_113 = vector.shape_cast %swap3A_112 : vector<1x16xf32> to vector<16xf32>
        %swap3A_114 = vector.shape_cast %broadcast_in_dim3A_6 : vector<16xf32> to vector<1x16xf32>
        tpu.vector_store %arg3[%swap3A_110, %swap3A_111], %swap3A_114 {strides = array<i32>} : memref<16x2048xf32, #tpu.memory_space<vmem>>, vector<1x16xf32>,
        %mul3A_115 = arith.constant 128 : i32
        %mul3A_116 = arith.muli %scan3A_43, %mul3A_115 : i32
        %add3A_117 = arith.constant 112 : i32
        %add3A_118 = arith.addi %mul3A_116, %add3A_117 : i32
        %swap3A_119 = arith.constant 0 : i32
        %swap3A_120 = arith.index_cast %swap3A_119 : i32 to index
        %swap3A_121 = arith.index_cast %add3A_118 : i32 to index
        %swap3A_122 = tpu.vector_load %arg3[%swap3A_120, %swap3A_121] {strides = array<i32>} : memref<16x2048xf32, #tpu.memory_space<vmem>>, vector<1x16xf32>,
        %swap3A_123 = vector.shape_cast %swap3A_122 : vector<1x16xf32> to vector<16xf32>
        %swap3A_124 = vector.shape_cast %broadcast_in_dim3A_6 : vector<16xf32> to vector<1x16xf32>
        tpu.vector_store %arg3[%swap3A_120, %swap3A_121], %swap3A_124 {strides = array<i32>} : memref<16x2048xf32, #tpu.memory_space<vmem>>, vector<1x16xf32>,
        %scan3A_125 = arith.constant 0 : i32
        scf.yield %scan3A_125 : i32
      }
      %scan3A_37 = arith.constant 16 : i32
      %swap3A = arith.constant 0 : i32
      %swap3A_38 = arith.index_cast %swap3A : i32 to index
      %swap3A_39 = arith.constant 0 : index
      %swap3A_40 = tpu.vector_load %arg3[%swap3A_38, %swap3A_39] {strides = array<i32>} : memref<16x2048xf32, #tpu.memory_space<vmem>>, vector<1x16xf32>,
      %swap3A_41 = vector.shape_cast %swap3A_40 : vector<1x16xf32> to vector<16xf32>
      %swap3A_42 = vector.shape_cast %select_n3A : vector<16xf32> to vector<1x16xf32>
      tpu.vector_store %arg3[%swap3A_38, %swap3A_39], %swap3A_42 {strides = array<i32>} : memref<16x2048xf32, #tpu.memory_space<vmem>>, vector<1x16xf32>,
    } else {
    }
    %add3A_25 = arith.constant 16 : i32
    %add3A_26 = arith.addi %mul3A_16, %add3A_25 : i32
    "tpu.region"() ({
      %run_scoped3A = tpu.sem_alloc : memref<!tpu.dma_semaphore, #tpu.memory_space<semaphore_mem>>
      %dma_start3A = arith.constant 0 : i32
      %dma_start3A_31 = tpu.memref_slice %arg2[%add3A_26, %dma_start3A] : memref<2048x2048xf32, #tpu.memory_space<hbm>> -> memref<16x2048xf32, #tpu.memory_space<hbm>>
      %dma_start3A_32 = arith.constant 0 : i32
      %dma_start3A_33 = tpu.memref_slice %arg2[%add3A_26, %dma_start3A_32] : memref<2048x2048xf32, #tpu.memory_space<hbm>> -> memref<16x2048xf32, #tpu.memory_space<hbm>>
      tpu.enqueue_dma source(%arg3 : memref<16x2048xf32, #tpu.memory_space<vmem>>) target(%dma_start3A_33 : memref<16x2048xf32, #tpu.memory_space<hbm>>) target_semaphore(%run_scoped3A : memref<!tpu.dma_semaphore, #tpu.memory_space<semaphore_mem>>)
      %dma_wait3A = arith.constant 0 : i32
      %dma_wait3A_34 = tpu.memref_slice %arg2[%add3A_26, %dma_wait3A] : memref<2048x2048xf32, #tpu.memory_space<hbm>> -> memref<16x2048xf32, #tpu.memory_space<hbm>>
      %dma_wait3A_35 = arith.constant 0 : i32
      %dma_wait3A_36 = tpu.memref_slice %arg2[%add3A_26, %dma_wait3A_35] : memref<2048x2048xf32, #tpu.memory_space<hbm>> -> memref<16x2048xf32, #tpu.memory_space<hbm>>
      tpu.wait_dma2 semaphore(%run_scoped3A : memref<!tpu.dma_semaphore, #tpu.memory_space<semaphore_mem>>) src(%arg3 : memref<16x2048xf32, #tpu.memory_space<vmem>>) dst(%dma_wait3A_36 : memref<16x2048xf32, #tpu.memory_space<hbm>>)
      tpu.yield
    }) : () -> ()
    %add3A_27 = arith.constant 32 : i32
    %add3A_28 = arith.addi %mul3A_16, %add3A_27 : i32
    "tpu.region"() ({
      %run_scoped3A = tpu.sem_alloc : memref<!tpu.dma_semaphore, #tpu.memory_space<semaphore_mem>>
      %dma_start3A = arith.constant 0 : i32
      %dma_start3A_31 = tpu.memref_slice %arg2[%add3A_28, %dma_start3A] : memref<2048x2048xf32, #tpu.memory_space<hbm>> -> memref<16x2048xf32, #tpu.memory_space<hbm>>
      %dma_start3A_32 = arith.constant 0 : i32
      %dma_start3A_33 = tpu.memref_slice %arg2[%add3A_28, %dma_start3A_32] : memref<2048x2048xf32, #tpu.memory_space<hbm>> -> memref<16x2048xf32, #tpu.memory_space<hbm>>
      tpu.enqueue_dma source(%arg3 : memref<16x2048xf32, #tpu.memory_space<vmem>>) target(%dma_start3A_33 : memref<16x2048xf32, #tpu.memory_space<hbm>>) target_semaphore(%run_scoped3A : memref<!tpu.dma_semaphore, #tpu.memory_space<semaphore_mem>>)
      %dma_wait3A = arith.constant 0 : i32
      %dma_wait3A_34 = tpu.memref_slice %arg2[%add3A_28, %dma_wait3A] : memref<2048x2048xf32, #tpu.memory_space<hbm>> -> memref<16x2048xf32, #tpu.memory_space<hbm>>
      %dma_wait3A_35 = arith.constant 0 : i32
      %dma_wait3A_36 = tpu.memref_slice %arg2[%add3A_28, %dma_wait3A_35] : memref<2048x2048xf32, #tpu.memory_space<hbm>> -> memref<16x2048xf32, #tpu.memory_space<hbm>>
      tpu.wait_dma2 semaphore(%run_scoped3A : memref<!tpu.dma_semaphore, #tpu.memory_space<semaphore_mem>>) src(%arg3 : memref<16x2048xf32, #tpu.memory_space<vmem>>) dst(%dma_wait3A_36 : memref<16x2048xf32, #tpu.memory_space<hbm>>)
      tpu.yield
    }) : () -> ()
    %add3A_29 = arith.constant 48 : i32
    %add3A_30 = arith.addi %mul3A_16, %add3A_29 : i32
    "tpu.region"() ({
      %run_scoped3A = tpu.sem_alloc : memref<!tpu.dma_semaphore, #tpu.memory_space<semaphore_mem>>
      %dma_start3A = arith.constant 0 : i32
      %dma_start3A_31 = tpu.memref_slice %arg2[%add3A_30, %dma_start3A] : memref<2048x2048xf32, #tpu.memory_space<hbm>> -> memref<16x2048xf32, #tpu.memory_space<hbm>>
      %dma_start3A_32 = arith.constant 0 : i32
      %dma_start3A_33 = tpu.memref_slice %arg2[%add3A_30, %dma_start3A_32] : memref<2048x2048xf32, #tpu.memory_space<hbm>> -> memref<16x2048xf32, #tpu.memory_space<hbm>>
      tpu.enqueue_dma source(%arg3 : memref<16x2048xf32, #tpu.memory_space<vmem>>) target(%dma_start3A_33 : memref<16x2048xf32, #tpu.memory_space<hbm>>) target_semaphore(%run_scoped3A : memref<!tpu.dma_semaphore, #tpu.memory_space<semaphore_mem>>)
      %dma_wait3A = arith.constant 0 : i32
      %dma_wait3A_34 = tpu.memref_slice %arg2[%add3A_30, %dma_wait3A] : memref<2048x2048xf32, #tpu.memory_space<hbm>> -> memref<16x2048xf32, #tpu.memory_space<hbm>>
      %dma_wait3A_35 = arith.constant 0 : i32
      %dma_wait3A_36 = tpu.memref_slice %arg2[%add3A_30, %dma_wait3A_35] : memref<2048x2048xf32, #tpu.memory_space<hbm>> -> memref<16x2048xf32, #tpu.memory_space<hbm>>
      tpu.wait_dma2 semaphore(%run_scoped3A : memref<!tpu.dma_semaphore, #tpu.memory_space<semaphore_mem>>) src(%arg3 : memref<16x2048xf32, #tpu.memory_space<vmem>>) dst(%dma_wait3A_36 : memref<16x2048xf32, #tpu.memory_space<hbm>>)
      tpu.yield
    }) : () -> ()
    return
  }
}

module attributes {stable_mosaic.version = 14 : i64} {
  func.func @_fused(%arg0: i32, %arg1: memref<2x1x2048xi32, #tpu.memory_space<vmem>>, %arg2: memref<512x1024xf32, #tpu.memory_space<vmem>>, %arg3: memref<512x1024xf32, #tpu.memory_space<vmem>>, %arg4: memref<512x1024xf32, #tpu.memory_space<vmem>>, %arg5: memref<512x1024xf32, #tpu.memory_space<vmem>>, %arg6: memref<512x1024xf32, #tpu.memory_space<vmem>>, %arg7: memref<2x256x2048xi8, #tpu.memory_space<vmem>>) attributes {dimension_semantics = [#tpu.dimension_semantics<arbitrary>], iteration_bounds = array<i64: 26>, scalar_prefetch = 0 : i64, scratch_operands = 0 : i64, tpu.core_type = #tpu.core_type<tc>, window_params = [{pipeline_mode = #tpu.pipeline_mode<synchronous>, transform_indices = @transform_0, window_bounds = array<i64: 2, 1, 2048>}, {transform_indices = @transform_1, window_bounds = array<i64: 512, 1024>}, {transform_indices = @transform_2, window_bounds = array<i64: 512, 1024>}, {transform_indices = @transform_3, window_bounds = array<i64: 512, 1024>}, {transform_indices = @transform_4, window_bounds = array<i64: 512, 1024>}, {transform_indices = @transform_5, window_bounds = array<i64: 512, 1024>}, {transform_indices = @transform_6, window_bounds = array<i64: 2, 256, 2048>}]} {
    %ge3A = arith.constant 0 : i32
    %ge3A_0 = arith.cmpi sge, %arg0, %ge3A : i32
    %lt3A = arith.constant 8 : i32
    %lt3A_1 = arith.cmpi slt, %arg0, %lt3A : i32
    %and3A = arith.andi %ge3A_0, %lt3A_1 : i1
    %convert_element_type3A = arith.extui %and3A : i1 to i32
    %cond3A = arith.constant 0 : i32
    %cond3A_2 = arith.cmpi ne, %convert_element_type3A, %cond3A : i32
    scf.if %cond3A_2 {
      %sub3A = arith.constant 0 : i32
      %sub3A_40 = arith.subi %arg0, %sub3A : i32
      %iota3A = tpu.iota {dimensions = array<i32: 1>} : vector<8x512xi32>
      %convert_element_type3A_41 = arith.sitofp %iota3A : vector<8x512xi32> to vector<8x512xf32>
      %log3A = arith.constant 1.000000e+04 : f32
      %log3A_42 = math.log %log3A : f32
      %div3A = arith.constant 5.120000e+02 : f32
      %div3A_43 = arith.divf %log3A_42, %div3A : f32
      %mul3A = vector.broadcast %div3A_43 : f32 to vector<8x512xf32>
      %mul3A_44 = arith.mulf %convert_element_type3A_41, %mul3A : vector<8x512xf32>
      %exp3A = math.exp %mul3A_44 : vector<8x512xf32>
      %div3A_45 = arith.constant 1.000000e+00 : f32
      %div3A_46 = vector.broadcast %div3A_45 : f32 to vector<8x512xf32>
      %div3A_47 = arith.divf %div3A_46, %exp3A : vector<8x512xf32>
      %mul3A_48 = arith.constant 512 : i32
      %mul3A_49 = arith.muli %sub3A_40, %mul3A_48 : i32
      %iota3A_50 = tpu.iota {dimensions = array<i32: 0>} : vector<8x512xi32>
      %add3A = vector.broadcast %mul3A_49 : i32 to vector<8x512xi32>
      %add3A_51 = arith.addi %add3A, %iota3A_50 : vector<8x512xi32>
      %mul3A_52 = arith.constant 1 : i32
      %mul3A_53 = vector.broadcast %mul3A_52 : i32 to vector<8x512xi32>
      %mul3A_54 = arith.muli %mul3A_53, %add3A_51 : vector<8x512xi32>
      %sub3A_55 = arith.constant 2048 : i32
      %sub3A_56 = vector.broadcast %sub3A_55 : i32 to vector<8x512xi32>
      %sub3A_57 = arith.subi %sub3A_56, %mul3A_54 : vector<8x512xi32>
      %convert_element_type3A_58 = arith.sitofp %sub3A_57 : vector<8x512xi32> to vector<8x512xf32>
      %mul3A_59 = arith.mulf %convert_element_type3A_58, %div3A_47 : vector<8x512xf32>
      %sin3A = math.sin %mul3A_59 : vector<8x512xf32>
      %cos3A = math.cos %mul3A_59 : vector<8x512xf32>
      %iota3A_60 = tpu.iota {dimensions = array<i32: 1>} : vector<1x512xi32>
      %convert_element_type3A_61 = arith.sitofp %iota3A_60 : vector<1x512xi32> to vector<1x512xf32>
      %log3A_62 = arith.constant 1.000000e+04 : f32
      %log3A_63 = math.log %log3A_62 : f32
      %div3A_64 = arith.constant 5.120000e+02 : f32
      %div3A_65 = arith.divf %log3A_63, %div3A_64 : f32
      %mul3A_66 = vector.broadcast %div3A_65 : f32 to vector<1x512xf32>
      %mul3A_67 = arith.mulf %convert_element_type3A_61, %mul3A_66 : vector<1x512xf32>
      %exp3A_68 = math.exp %mul3A_67 : vector<1x512xf32>
      %div3A_69 = arith.constant 1.000000e+00 : f32
      %div3A_70 = vector.broadcast %div3A_69 : f32 to vector<1x512xf32>
      %div3A_71 = arith.divf %div3A_70, %exp3A_68 : vector<1x512xf32>
      %mul3A_72 = arith.constant -8.000000e+00 : f32
      %mul3A_73 = vector.broadcast %mul3A_72 : f32 to vector<1x512xf32>
      %mul3A_74 = arith.mulf %mul3A_73, %div3A_71 : vector<1x512xf32>
      %cos3A_75 = math.cos %mul3A_74 : vector<1x512xf32>
      %sin3A_76 = math.sin %mul3A_74 : vector<1x512xf32>
      %mul3A_77 = arith.constant -3.200000e+01 : f32
      %mul3A_78 = vector.broadcast %mul3A_77 : f32 to vector<1x512xf32>
      %mul3A_79 = arith.mulf %mul3A_78, %div3A_71 : vector<1x512xf32>
      %cos3A_80 = math.cos %mul3A_79 : vector<1x512xf32>
      %sin3A_81 = math.sin %mul3A_79 : vector<1x512xf32>
      %mul3A_82 = vector.broadcast %cos3A_75 : vector<1x512xf32> to vector<8x512xf32>
      %mul3A_83 = arith.mulf %sin3A, %mul3A_82 : vector<8x512xf32>
      %mul3A_84 = vector.broadcast %sin3A_76 : vector<1x512xf32> to vector<8x512xf32>
      %mul3A_85 = arith.mulf %cos3A, %mul3A_84 : vector<8x512xf32>
      %add3A_86 = arith.addf %mul3A_83, %mul3A_85 : vector<8x512xf32>
      %mul3A_87 = vector.broadcast %cos3A_75 : vector<1x512xf32> to vector<8x512xf32>
      %mul3A_88 = arith.mulf %cos3A, %mul3A_87 : vector<8x512xf32>
      %mul3A_89 = vector.broadcast %sin3A_76 : vector<1x512xf32> to vector<8x512xf32>
      %mul3A_90 = arith.mulf %sin3A, %mul3A_89 : vector<8x512xf32>
      %sub3A_91 = arith.subf %mul3A_88, %mul3A_90 : vector<8x512xf32>
      %mul3A_92 = vector.broadcast %cos3A_75 : vector<1x512xf32> to vector<8x512xf32>
      %mul3A_93 = arith.mulf %add3A_86, %mul3A_92 : vector<8x512xf32>
      %mul3A_94 = vector.broadcast %sin3A_76 : vector<1x512xf32> to vector<8x512xf32>
      %mul3A_95 = arith.mulf %sub3A_91, %mul3A_94 : vector<8x512xf32>
      %add3A_96 = arith.addf %mul3A_93, %mul3A_95 : vector<8x512xf32>
      %mul3A_97 = vector.broadcast %cos3A_75 : vector<1x512xf32> to vector<8x512xf32>
      %mul3A_98 = arith.mulf %sub3A_91, %mul3A_97 : vector<8x512xf32>
      %mul3A_99 = vector.broadcast %sin3A_76 : vector<1x512xf32> to vector<8x512xf32>
      %mul3A_100 = arith.mulf %add3A_86, %mul3A_99 : vector<8x512xf32>
      %sub3A_101 = arith.subf %mul3A_98, %mul3A_100 : vector<8x512xf32>
      %mul3A_102 = vector.broadcast %cos3A_75 : vector<1x512xf32> to vector<8x512xf32>
      %mul3A_103 = arith.mulf %add3A_96, %mul3A_102 : vector<8x512xf32>
      %mul3A_104 = vector.broadcast %sin3A_76 : vector<1x512xf32> to vector<8x512xf32>
      %mul3A_105 = arith.mulf %sub3A_101, %mul3A_104 : vector<8x512xf32>
      %add3A_106 = arith.addf %mul3A_103, %mul3A_105 : vector<8x512xf32>
      %mul3A_107 = vector.broadcast %cos3A_75 : vector<1x512xf32> to vector<8x512xf32>
      %mul3A_108 = arith.mulf %sub3A_101, %mul3A_107 : vector<8x512xf32>
      %mul3A_109 = vector.broadcast %sin3A_76 : vector<1x512xf32> to vector<8x512xf32>
      %mul3A_110 = arith.mulf %add3A_96, %mul3A_109 : vector<8x512xf32>
      %sub3A_111 = arith.subf %mul3A_108, %mul3A_110 : vector<8x512xf32>
      %concatenate3A = tpu.concatenate %sin3A, %add3A_86, %add3A_96, %add3A_106 in 0 : vector<8x512xf32>, vector<8x512xf32>, vector<8x512xf32>, vector<8x512xf32> -> vector<32x512xf32>
      %concatenate3A_112 = tpu.concatenate %cos3A, %sub3A_91, %sub3A_101, %sub3A_111 in 0 : vector<8x512xf32>, vector<8x512xf32>, vector<8x512xf32>, vector<8x512xf32> -> vector<32x512xf32>
      %swap3A = arith.constant 0 : index
      %swap3A_113 = arith.constant 0 : index
      %swap3A_114 = vector.load %arg2[%swap3A, %swap3A_113] : memref<512x1024xf32, #tpu.memory_space<vmem>>, vector<32x512xf32>
      tpu.vector_store %arg2[%swap3A, %swap3A_113], %concatenate3A {strides = array<i32>} : memref<512x1024xf32, #tpu.memory_space<vmem>>, vector<32x512xf32>,
      %swap3A_115 = arith.constant 0 : index
      %swap3A_116 = arith.constant 512 : index
      %swap3A_117 = vector.load %arg2[%swap3A_115, %swap3A_116] : memref<512x1024xf32, #tpu.memory_space<vmem>>, vector<32x512xf32>
      tpu.vector_store %arg2[%swap3A_115, %swap3A_116], %concatenate3A_112 {strides = array<i32>} : memref<512x1024xf32, #tpu.memory_space<vmem>>, vector<32x512xf32>,
      %scan3A = arith.constant 1 : i32
      %scan3A_118 = arith.constant 15 : i32
      %scan3A_119 = arith.addi %scan3A, %scan3A_118 : i32
      %scan3A_120 = arith.constant 1 : i32
      %scan3A_121:2 = scf.for %scan3A_123 = %scan3A to %scan3A_119 step %scan3A_120 iter_args(%scan3A_124 = %concatenate3A, %scan3A_125 = %concatenate3A_112) -> (vector<32x512xf32>, vector<32x512xf32>)  : i32 {
        %mul3A_126 = vector.broadcast %cos3A_80 : vector<1x512xf32> to vector<32x512xf32>
        %mul3A_127 = arith.mulf %scan3A_124, %mul3A_126 : vector<32x512xf32>
        %mul3A_128 = vector.broadcast %sin3A_81 : vector<1x512xf32> to vector<32x512xf32>
        %mul3A_129 = arith.mulf %scan3A_125, %mul3A_128 : vector<32x512xf32>
        %add3A_130 = arith.addf %mul3A_127, %mul3A_129 : vector<32x512xf32>
        %mul3A_131 = vector.broadcast %cos3A_80 : vector<1x512xf32> to vector<32x512xf32>
        %mul3A_132 = arith.mulf %scan3A_125, %mul3A_131 : vector<32x512xf32>
        %mul3A_133 = vector.broadcast %sin3A_81 : vector<1x512xf32> to vector<32x512xf32>
        %mul3A_134 = arith.mulf %scan3A_124, %mul3A_133 : vector<32x512xf32>
        %sub3A_135 = arith.subf %mul3A_132, %mul3A_134 : vector<32x512xf32>
        %mul3A_136 = arith.constant 32 : i32
        %mul3A_137 = arith.muli %scan3A_123, %mul3A_136 : i32
        %swap3A_138 = arith.index_cast %mul3A_137 : i32 to index
        %swap3A_139 = arith.constant 0 : index
        %swap3A_140 = vector.load %arg2[%swap3A_138, %swap3A_139] : memref<512x1024xf32, #tpu.memory_space<vmem>>, vector<32x512xf32>
        tpu.vector_store %arg2[%swap3A_138, %swap3A_139], %add3A_130 {strides = array<i32>} : memref<512x1024xf32, #tpu.memory_space<vmem>>, vector<32x512xf32>,
        %mul3A_141 = arith.constant 32 : i32
        %mul3A_142 = arith.muli %scan3A_123, %mul3A_141 : i32
        %swap3A_143 = arith.index_cast %mul3A_142 : i32 to index
        %swap3A_144 = arith.constant 512 : index
        %swap3A_145 = vector.load %arg2[%swap3A_143, %swap3A_144] : memref<512x1024xf32, #tpu.memory_space<vmem>>, vector<32x512xf32>
        tpu.vector_store %arg2[%swap3A_143, %swap3A_144], %sub3A_135 {strides = array<i32>} : memref<512x1024xf32, #tpu.memory_space<vmem>>, vector<32x512xf32>,
        scf.yield %add3A_130, %sub3A_135 : vector<32x512xf32>, vector<32x512xf32>
      }
      %scan3A_122 = arith.constant 15 : i32
    } else {
    }
    %ge3A_3 = arith.constant 8 : i32
    %ge3A_4 = arith.cmpi sge, %arg0, %ge3A_3 : i32
    %lt3A_5 = arith.constant 12 : i32
    %lt3A_6 = arith.cmpi slt, %arg0, %lt3A_5 : i32
    %and3A_7 = arith.andi %ge3A_4, %lt3A_6 : i1
    %convert_element_type3A_8 = arith.extui %and3A_7 : i1 to i32
    %cond3A_9 = arith.constant 0 : i32
    %cond3A_10 = arith.cmpi ne, %convert_element_type3A_8, %cond3A_9 : i32
    scf.if %cond3A_10 {
      %sub3A = arith.constant 8 : i32
      %sub3A_40 = arith.subi %arg0, %sub3A : i32
      %iota3A = tpu.iota {dimensions = array<i32: 1>} : vector<8x512xi32>
      %convert_element_type3A_41 = arith.sitofp %iota3A : vector<8x512xi32> to vector<8x512xf32>
      %log3A = arith.constant 1.000000e+04 : f32
      %log3A_42 = math.log %log3A : f32
      %div3A = arith.constant 5.120000e+02 : f32
      %div3A_43 = arith.divf %log3A_42, %div3A : f32
      %mul3A = vector.broadcast %div3A_43 : f32 to vector<8x512xf32>
      %mul3A_44 = arith.mulf %convert_element_type3A_41, %mul3A : vector<8x512xf32>
      %exp3A = math.exp %mul3A_44 : vector<8x512xf32>
      %div3A_45 = arith.constant 1.000000e+00 : f32
      %div3A_46 = vector.broadcast %div3A_45 : f32 to vector<8x512xf32>
      %div3A_47 = arith.divf %div3A_46, %exp3A : vector<8x512xf32>
      %mul3A_48 = arith.constant 512 : i32
      %mul3A_49 = arith.muli %sub3A_40, %mul3A_48 : i32
      %iota3A_50 = tpu.iota {dimensions = array<i32: 0>} : vector<8x512xi32>
      %add3A = vector.broadcast %mul3A_49 : i32 to vector<8x512xi32>
      %add3A_51 = arith.addi %add3A, %iota3A_50 : vector<8x512xi32>
      %mul3A_52 = arith.constant 2 : i32
      %mul3A_53 = vector.broadcast %mul3A_52 : i32 to vector<8x512xi32>
      %mul3A_54 = arith.muli %mul3A_53, %add3A_51 : vector<8x512xi32>
      %sub3A_55 = arith.constant 2048 : i32
      %sub3A_56 = vector.broadcast %sub3A_55 : i32 to vector<8x512xi32>
      %sub3A_57 = arith.subi %sub3A_56, %mul3A_54 : vector<8x512xi32>
      %convert_element_type3A_58 = arith.sitofp %sub3A_57 : vector<8x512xi32> to vector<8x512xf32>
      %mul3A_59 = arith.mulf %convert_element_type3A_58, %div3A_47 : vector<8x512xf32>
      %sin3A = math.sin %mul3A_59 : vector<8x512xf32>
      %cos3A = math.cos %mul3A_59 : vector<8x512xf32>
      %iota3A_60 = tpu.iota {dimensions = array<i32: 1>} : vector<1x512xi32>
      %convert_element_type3A_61 = arith.sitofp %iota3A_60 : vector<1x512xi32> to vector<1x512xf32>
      %log3A_62 = arith.constant 1.000000e+04 : f32
      %log3A_63 = math.log %log3A_62 : f32
      %div3A_64 = arith.constant 5.120000e+02 : f32
      %div3A_65 = arith.divf %log3A_63, %div3A_64 : f32
      %mul3A_66 = vector.broadcast %div3A_65 : f32 to vector<1x512xf32>
      %mul3A_67 = arith.mulf %convert_element_type3A_61, %mul3A_66 : vector<1x512xf32>
      %exp3A_68 = math.exp %mul3A_67 : vector<1x512xf32>
      %div3A_69 = arith.constant 1.000000e+00 : f32
      %div3A_70 = vector.broadcast %div3A_69 : f32 to vector<1x512xf32>
      %div3A_71 = arith.divf %div3A_70, %exp3A_68 : vector<1x512xf32>
      %mul3A_72 = arith.constant -1.600000e+01 : f32
      %mul3A_73 = vector.broadcast %mul3A_72 : f32 to vector<1x512xf32>
      %mul3A_74 = arith.mulf %mul3A_73, %div3A_71 : vector<1x512xf32>
      %cos3A_75 = math.cos %mul3A_74 : vector<1x512xf32>
      %sin3A_76 = math.sin %mul3A_74 : vector<1x512xf32>
      %mul3A_77 = arith.constant -6.400000e+01 : f32
      %mul3A_78 = vector.broadcast %mul3A_77 : f32 to vector<1x512xf32>
      %mul3A_79 = arith.mulf %mul3A_78, %div3A_71 : vector<1x512xf32>
      %cos3A_80 = math.cos %mul3A_79 : vector<1x512xf32>
      %sin3A_81 = math.sin %mul3A_79 : vector<1x512xf32>
      %mul3A_82 = vector.broadcast %cos3A_75 : vector<1x512xf32> to vector<8x512xf32>
      %mul3A_83 = arith.mulf %sin3A, %mul3A_82 : vector<8x512xf32>
      %mul3A_84 = vector.broadcast %sin3A_76 : vector<1x512xf32> to vector<8x512xf32>
      %mul3A_85 = arith.mulf %cos3A, %mul3A_84 : vector<8x512xf32>
      %add3A_86 = arith.addf %mul3A_83, %mul3A_85 : vector<8x512xf32>
      %mul3A_87 = vector.broadcast %cos3A_75 : vector<1x512xf32> to vector<8x512xf32>
      %mul3A_88 = arith.mulf %cos3A, %mul3A_87 : vector<8x512xf32>
      %mul3A_89 = vector.broadcast %sin3A_76 : vector<1x512xf32> to vector<8x512xf32>
      %mul3A_90 = arith.mulf %sin3A, %mul3A_89 : vector<8x512xf32>
      %sub3A_91 = arith.subf %mul3A_88, %mul3A_90 : vector<8x512xf32>
      %mul3A_92 = vector.broadcast %cos3A_75 : vector<1x512xf32> to vector<8x512xf32>
      %mul3A_93 = arith.mulf %add3A_86, %mul3A_92 : vector<8x512xf32>
      %mul3A_94 = vector.broadcast %sin3A_76 : vector<1x512xf32> to vector<8x512xf32>
      %mul3A_95 = arith.mulf %sub3A_91, %mul3A_94 : vector<8x512xf32>
      %add3A_96 = arith.addf %mul3A_93, %mul3A_95 : vector<8x512xf32>
      %mul3A_97 = vector.broadcast %cos3A_75 : vector<1x512xf32> to vector<8x512xf32>
      %mul3A_98 = arith.mulf %sub3A_91, %mul3A_97 : vector<8x512xf32>
      %mul3A_99 = vector.broadcast %sin3A_76 : vector<1x512xf32> to vector<8x512xf32>
      %mul3A_100 = arith.mulf %add3A_86, %mul3A_99 : vector<8x512xf32>
      %sub3A_101 = arith.subf %mul3A_98, %mul3A_100 : vector<8x512xf32>
      %mul3A_102 = vector.broadcast %cos3A_75 : vector<1x512xf32> to vector<8x512xf32>
      %mul3A_103 = arith.mulf %add3A_96, %mul3A_102 : vector<8x512xf32>
      %mul3A_104 = vector.broadcast %sin3A_76 : vector<1x512xf32> to vector<8x512xf32>
      %mul3A_105 = arith.mulf %sub3A_101, %mul3A_104 : vector<8x512xf32>
      %add3A_106 = arith.addf %mul3A_103, %mul3A_105 : vector<8x512xf32>
      %mul3A_107 = vector.broadcast %cos3A_75 : vector<1x512xf32> to vector<8x512xf32>
      %mul3A_108 = arith.mulf %sub3A_101, %mul3A_107 : vector<8x512xf32>
      %mul3A_109 = vector.broadcast %sin3A_76 : vector<1x512xf32> to vector<8x512xf32>
      %mul3A_110 = arith.mulf %add3A_96, %mul3A_109 : vector<8x512xf32>
      %sub3A_111 = arith.subf %mul3A_108, %mul3A_110 : vector<8x512xf32>
      %concatenate3A = tpu.concatenate %sin3A, %add3A_86, %add3A_96, %add3A_106 in 0 : vector<8x512xf32>, vector<8x512xf32>, vector<8x512xf32>, vector<8x512xf32> -> vector<32x512xf32>
      %concatenate3A_112 = tpu.concatenate %cos3A, %sub3A_91, %sub3A_101, %sub3A_111 in 0 : vector<8x512xf32>, vector<8x512xf32>, vector<8x512xf32>, vector<8x512xf32> -> vector<32x512xf32>
      %swap3A = arith.constant 0 : index
      %swap3A_113 = arith.constant 0 : index
      %swap3A_114 = vector.load %arg3[%swap3A, %swap3A_113] : memref<512x1024xf32, #tpu.memory_space<vmem>>, vector<32x512xf32>
      tpu.vector_store %arg3[%swap3A, %swap3A_113], %concatenate3A {strides = array<i32>} : memref<512x1024xf32, #tpu.memory_space<vmem>>, vector<32x512xf32>,
      %swap3A_115 = arith.constant 0 : index
      %swap3A_116 = arith.constant 512 : index
      %swap3A_117 = vector.load %arg3[%swap3A_115, %swap3A_116] : memref<512x1024xf32, #tpu.memory_space<vmem>>, vector<32x512xf32>
      tpu.vector_store %arg3[%swap3A_115, %swap3A_116], %concatenate3A_112 {strides = array<i32>} : memref<512x1024xf32, #tpu.memory_space<vmem>>, vector<32x512xf32>,
      %scan3A = arith.constant 1 : i32
      %scan3A_118 = arith.constant 15 : i32
      %scan3A_119 = arith.addi %scan3A, %scan3A_118 : i32
      %scan3A_120 = arith.constant 1 : i32
      %scan3A_121:2 = scf.for %scan3A_123 = %scan3A to %scan3A_119 step %scan3A_120 iter_args(%scan3A_124 = %concatenate3A, %scan3A_125 = %concatenate3A_112) -> (vector<32x512xf32>, vector<32x512xf32>)  : i32 {
        %mul3A_126 = vector.broadcast %cos3A_80 : vector<1x512xf32> to vector<32x512xf32>
        %mul3A_127 = arith.mulf %scan3A_124, %mul3A_126 : vector<32x512xf32>
        %mul3A_128 = vector.broadcast %sin3A_81 : vector<1x512xf32> to vector<32x512xf32>
        %mul3A_129 = arith.mulf %scan3A_125, %mul3A_128 : vector<32x512xf32>
        %add3A_130 = arith.addf %mul3A_127, %mul3A_129 : vector<32x512xf32>
        %mul3A_131 = vector.broadcast %cos3A_80 : vector<1x512xf32> to vector<32x512xf32>
        %mul3A_132 = arith.mulf %scan3A_125, %mul3A_131 : vector<32x512xf32>
        %mul3A_133 = vector.broadcast %sin3A_81 : vector<1x512xf32> to vector<32x512xf32>
        %mul3A_134 = arith.mulf %scan3A_124, %mul3A_133 : vector<32x512xf32>
        %sub3A_135 = arith.subf %mul3A_132, %mul3A_134 : vector<32x512xf32>
        %mul3A_136 = arith.constant 32 : i32
        %mul3A_137 = arith.muli %scan3A_123, %mul3A_136 : i32
        %swap3A_138 = arith.index_cast %mul3A_137 : i32 to index
        %swap3A_139 = arith.constant 0 : index
        %swap3A_140 = vector.load %arg3[%swap3A_138, %swap3A_139] : memref<512x1024xf32, #tpu.memory_space<vmem>>, vector<32x512xf32>
        tpu.vector_store %arg3[%swap3A_138, %swap3A_139], %add3A_130 {strides = array<i32>} : memref<512x1024xf32, #tpu.memory_space<vmem>>, vector<32x512xf32>,
        %mul3A_141 = arith.constant 32 : i32
        %mul3A_142 = arith.muli %scan3A_123, %mul3A_141 : i32
        %swap3A_143 = arith.index_cast %mul3A_142 : i32 to index
        %swap3A_144 = arith.constant 512 : index
        %swap3A_145 = vector.load %arg3[%swap3A_143, %swap3A_144] : memref<512x1024xf32, #tpu.memory_space<vmem>>, vector<32x512xf32>
        tpu.vector_store %arg3[%swap3A_143, %swap3A_144], %sub3A_135 {strides = array<i32>} : memref<512x1024xf32, #tpu.memory_space<vmem>>, vector<32x512xf32>,
        scf.yield %add3A_130, %sub3A_135 : vector<32x512xf32>, vector<32x512xf32>
      }
      %scan3A_122 = arith.constant 15 : i32
    } else {
    }
    %ge3A_11 = arith.constant 12 : i32
    %ge3A_12 = arith.cmpi sge, %arg0, %ge3A_11 : i32
    %lt3A_13 = arith.constant 20 : i32
    %lt3A_14 = arith.cmpi slt, %arg0, %lt3A_13 : i32
    %and3A_15 = arith.andi %ge3A_12, %lt3A_14 : i1
    %convert_element_type3A_16 = arith.extui %and3A_15 : i1 to i32
    %cond3A_17 = arith.constant 0 : i32
    %cond3A_18 = arith.cmpi ne, %convert_element_type3A_16, %cond3A_17 : i32
    scf.if %cond3A_18 {
      %sub3A = arith.constant 12 : i32
      %sub3A_40 = arith.subi %arg0, %sub3A : i32
      %iota3A = tpu.iota {dimensions = array<i32: 1>} : vector<8x512xi32>
      %convert_element_type3A_41 = arith.sitofp %iota3A : vector<8x512xi32> to vector<8x512xf32>
      %log3A = arith.constant 1.000000e+04 : f32
      %log3A_42 = math.log %log3A : f32
      %div3A = arith.constant 5.120000e+02 : f32
      %div3A_43 = arith.divf %log3A_42, %div3A : f32
      %mul3A = vector.broadcast %div3A_43 : f32 to vector<8x512xf32>
      %mul3A_44 = arith.mulf %convert_element_type3A_41, %mul3A : vector<8x512xf32>
      %exp3A = math.exp %mul3A_44 : vector<8x512xf32>
      %div3A_45 = arith.constant 1.000000e+00 : f32
      %div3A_46 = vector.broadcast %div3A_45 : f32 to vector<8x512xf32>
      %div3A_47 = arith.divf %div3A_46, %exp3A : vector<8x512xf32>
      %mul3A_48 = arith.constant 512 : i32
      %mul3A_49 = arith.muli %sub3A_40, %mul3A_48 : i32
      %iota3A_50 = tpu.iota {dimensions = array<i32: 0>} : vector<8x512xi32>
      %add3A = vector.broadcast %mul3A_49 : i32 to vector<8x512xi32>
      %add3A_51 = arith.addi %add3A, %iota3A_50 : vector<8x512xi32>
      %mul3A_52 = arith.constant 1 : i32
      %mul3A_53 = vector.broadcast %mul3A_52 : i32 to vector<8x512xi32>
      %mul3A_54 = arith.muli %mul3A_53, %add3A_51 : vector<8x512xi32>
      %sub3A_55 = arith.constant 2047 : i32
      %sub3A_56 = vector.broadcast %sub3A_55 : i32 to vector<8x512xi32>
      %sub3A_57 = arith.subi %sub3A_56, %mul3A_54 : vector<8x512xi32>
      %convert_element_type3A_58 = arith.sitofp %sub3A_57 : vector<8x512xi32> to vector<8x512xf32>
      %mul3A_59 = arith.mulf %convert_element_type3A_58, %div3A_47 : vector<8x512xf32>
      %sin3A = math.sin %mul3A_59 : vector<8x512xf32>
      %cos3A = math.cos %mul3A_59 : vector<8x512xf32>
      %iota3A_60 = tpu.iota {dimensions = array<i32: 1>} : vector<1x512xi32>
      %convert_element_type3A_61 = arith.sitofp %iota3A_60 : vector<1x512xi32> to vector<1x512xf32>
      %log3A_62 = arith.constant 1.000000e+04 : f32
      %log3A_63 = math.log %log3A_62 : f32
      %div3A_64 = arith.constant 5.120000e+02 : f32
      %div3A_65 = arith.divf %log3A_63, %div3A_64 : f32
      %mul3A_66 = vector.broadcast %div3A_65 : f32 to vector<1x512xf32>
      %mul3A_67 = arith.mulf %convert_element_type3A_61, %mul3A_66 : vector<1x512xf32>
      %exp3A_68 = math.exp %mul3A_67 : vector<1x512xf32>
      %div3A_69 = arith.constant 1.000000e+00 : f32
      %div3A_70 = vector.broadcast %div3A_69 : f32 to vector<1x512xf32>
      %div3A_71 = arith.divf %div3A_70, %exp3A_68 : vector<1x512xf32>
      %mul3A_72 = arith.constant -8.000000e+00 : f32
      %mul3A_73 = vector.broadcast %mul3A_72 : f32 to vector<1x512xf32>
      %mul3A_74 = arith.mulf %mul3A_73, %div3A_71 : vector<1x512xf32>
      %cos3A_75 = math.cos %mul3A_74 : vector<1x512xf32>
      %sin3A_76 = math.sin %mul3A_74 : vector<1x512xf32>
      %mul3A_77 = arith.constant -3.200000e+01 : f32
      %mul3A_78 = vector.broadcast %mul3A_77 : f32 to vector<1x512xf32>
      %mul3A_79 = arith.mulf %mul3A_78, %div3A_71 : vector<1x512xf32>
      %cos3A_80 = math.cos %mul3A_79 : vector<1x512xf32>
      %sin3A_81 = math.sin %mul3A_79 : vector<1x512xf32>
      %mul3A_82 = vector.broadcast %cos3A_75 : vector<1x512xf32> to vector<8x512xf32>
      %mul3A_83 = arith.mulf %sin3A, %mul3A_82 : vector<8x512xf32>
      %mul3A_84 = vector.broadcast %sin3A_76 : vector<1x512xf32> to vector<8x512xf32>
      %mul3A_85 = arith.mulf %cos3A, %mul3A_84 : vector<8x512xf32>
      %add3A_86 = arith.addf %mul3A_83, %mul3A_85 : vector<8x512xf32>
      %mul3A_87 = vector.broadcast %cos3A_75 : vector<1x512xf32> to vector<8x512xf32>
      %mul3A_88 = arith.mulf %cos3A, %mul3A_87 : vector<8x512xf32>
      %mul3A_89 = vector.broadcast %sin3A_76 : vector<1x512xf32> to vector<8x512xf32>
      %mul3A_90 = arith.mulf %sin3A, %mul3A_89 : vector<8x512xf32>
      %sub3A_91 = arith.subf %mul3A_88, %mul3A_90 : vector<8x512xf32>
      %mul3A_92 = vector.broadcast %cos3A_75 : vector<1x512xf32> to vector<8x512xf32>
      %mul3A_93 = arith.mulf %add3A_86, %mul3A_92 : vector<8x512xf32>
      %mul3A_94 = vector.broadcast %sin3A_76 : vector<1x512xf32> to vector<8x512xf32>
      %mul3A_95 = arith.mulf %sub3A_91, %mul3A_94 : vector<8x512xf32>
      %add3A_96 = arith.addf %mul3A_93, %mul3A_95 : vector<8x512xf32>
      %mul3A_97 = vector.broadcast %cos3A_75 : vector<1x512xf32> to vector<8x512xf32>
      %mul3A_98 = arith.mulf %sub3A_91, %mul3A_97 : vector<8x512xf32>
      %mul3A_99 = vector.broadcast %sin3A_76 : vector<1x512xf32> to vector<8x512xf32>
      %mul3A_100 = arith.mulf %add3A_86, %mul3A_99 : vector<8x512xf32>
      %sub3A_101 = arith.subf %mul3A_98, %mul3A_100 : vector<8x512xf32>
      %mul3A_102 = vector.broadcast %cos3A_75 : vector<1x512xf32> to vector<8x512xf32>
      %mul3A_103 = arith.mulf %add3A_96, %mul3A_102 : vector<8x512xf32>
      %mul3A_104 = vector.broadcast %sin3A_76 : vector<1x512xf32> to vector<8x512xf32>
      %mul3A_105 = arith.mulf %sub3A_101, %mul3A_104 : vector<8x512xf32>
      %add3A_106 = arith.addf %mul3A_103, %mul3A_105 : vector<8x512xf32>
      %mul3A_107 = vector.broadcast %cos3A_75 : vector<1x512xf32> to vector<8x512xf32>
      %mul3A_108 = arith.mulf %sub3A_101, %mul3A_107 : vector<8x512xf32>
      %mul3A_109 = vector.broadcast %sin3A_76 : vector<1x512xf32> to vector<8x512xf32>
      %mul3A_110 = arith.mulf %add3A_96, %mul3A_109 : vector<8x512xf32>
      %sub3A_111 = arith.subf %mul3A_108, %mul3A_110 : vector<8x512xf32>
      %concatenate3A = tpu.concatenate %sin3A, %add3A_86, %add3A_96, %add3A_106 in 0 : vector<8x512xf32>, vector<8x512xf32>, vector<8x512xf32>, vector<8x512xf32> -> vector<32x512xf32>
      %concatenate3A_112 = tpu.concatenate %cos3A, %sub3A_91, %sub3A_101, %sub3A_111 in 0 : vector<8x512xf32>, vector<8x512xf32>, vector<8x512xf32>, vector<8x512xf32> -> vector<32x512xf32>
      %swap3A = arith.constant 0 : index
      %swap3A_113 = arith.constant 0 : index
      %swap3A_114 = vector.load %arg4[%swap3A, %swap3A_113] : memref<512x1024xf32, #tpu.memory_space<vmem>>, vector<32x512xf32>
      tpu.vector_store %arg4[%swap3A, %swap3A_113], %concatenate3A {strides = array<i32>} : memref<512x1024xf32, #tpu.memory_space<vmem>>, vector<32x512xf32>,
      %swap3A_115 = arith.constant 0 : index
      %swap3A_116 = arith.constant 512 : index
      %swap3A_117 = vector.load %arg4[%swap3A_115, %swap3A_116] : memref<512x1024xf32, #tpu.memory_space<vmem>>, vector<32x512xf32>
      tpu.vector_store %arg4[%swap3A_115, %swap3A_116], %concatenate3A_112 {strides = array<i32>} : memref<512x1024xf32, #tpu.memory_space<vmem>>, vector<32x512xf32>,
      %scan3A = arith.constant 1 : i32
      %scan3A_118 = arith.constant 15 : i32
      %scan3A_119 = arith.addi %scan3A, %scan3A_118 : i32
      %scan3A_120 = arith.constant 1 : i32
      %scan3A_121:2 = scf.for %scan3A_123 = %scan3A to %scan3A_119 step %scan3A_120 iter_args(%scan3A_124 = %concatenate3A, %scan3A_125 = %concatenate3A_112) -> (vector<32x512xf32>, vector<32x512xf32>)  : i32 {
        %mul3A_126 = vector.broadcast %cos3A_80 : vector<1x512xf32> to vector<32x512xf32>
        %mul3A_127 = arith.mulf %scan3A_124, %mul3A_126 : vector<32x512xf32>
        %mul3A_128 = vector.broadcast %sin3A_81 : vector<1x512xf32> to vector<32x512xf32>
        %mul3A_129 = arith.mulf %scan3A_125, %mul3A_128 : vector<32x512xf32>
        %add3A_130 = arith.addf %mul3A_127, %mul3A_129 : vector<32x512xf32>
        %mul3A_131 = vector.broadcast %cos3A_80 : vector<1x512xf32> to vector<32x512xf32>
        %mul3A_132 = arith.mulf %scan3A_125, %mul3A_131 : vector<32x512xf32>
        %mul3A_133 = vector.broadcast %sin3A_81 : vector<1x512xf32> to vector<32x512xf32>
        %mul3A_134 = arith.mulf %scan3A_124, %mul3A_133 : vector<32x512xf32>
        %sub3A_135 = arith.subf %mul3A_132, %mul3A_134 : vector<32x512xf32>
        %mul3A_136 = arith.constant 32 : i32
        %mul3A_137 = arith.muli %scan3A_123, %mul3A_136 : i32
        %swap3A_138 = arith.index_cast %mul3A_137 : i32 to index
        %swap3A_139 = arith.constant 0 : index
        %swap3A_140 = vector.load %arg4[%swap3A_138, %swap3A_139] : memref<512x1024xf32, #tpu.memory_space<vmem>>, vector<32x512xf32>
        tpu.vector_store %arg4[%swap3A_138, %swap3A_139], %add3A_130 {strides = array<i32>} : memref<512x1024xf32, #tpu.memory_space<vmem>>, vector<32x512xf32>,
        %mul3A_141 = arith.constant 32 : i32
        %mul3A_142 = arith.muli %scan3A_123, %mul3A_141 : i32
        %swap3A_143 = arith.index_cast %mul3A_142 : i32 to index
        %swap3A_144 = arith.constant 512 : index
        %swap3A_145 = vector.load %arg4[%swap3A_143, %swap3A_144] : memref<512x1024xf32, #tpu.memory_space<vmem>>, vector<32x512xf32>
        tpu.vector_store %arg4[%swap3A_143, %swap3A_144], %sub3A_135 {strides = array<i32>} : memref<512x1024xf32, #tpu.memory_space<vmem>>, vector<32x512xf32>,
        scf.yield %add3A_130, %sub3A_135 : vector<32x512xf32>, vector<32x512xf32>
      }
      %scan3A_122 = arith.constant 15 : i32
    } else {
    }
    %ge3A_19 = arith.constant 20 : i32
    %ge3A_20 = arith.cmpi sge, %arg0, %ge3A_19 : i32
    %lt3A_21 = arith.constant 22 : i32
    %lt3A_22 = arith.cmpi slt, %arg0, %lt3A_21 : i32
    %and3A_23 = arith.andi %ge3A_20, %lt3A_22 : i1
    %convert_element_type3A_24 = arith.extui %and3A_23 : i1 to i32
    %cond3A_25 = arith.constant 0 : i32
    %cond3A_26 = arith.cmpi ne, %convert_element_type3A_24, %cond3A_25 : i32
    scf.if %cond3A_26 {
      %sub3A = arith.constant 20 : i32
      %sub3A_40 = arith.subi %arg0, %sub3A : i32
      %iota3A = tpu.iota {dimensions = array<i32: 1>} : vector<8x512xi32>
      %convert_element_type3A_41 = arith.sitofp %iota3A : vector<8x512xi32> to vector<8x512xf32>
      %log3A = arith.constant 1.000000e+04 : f32
      %log3A_42 = math.log %log3A : f32
      %div3A = arith.constant 5.120000e+02 : f32
      %div3A_43 = arith.divf %log3A_42, %div3A : f32
      %mul3A = vector.broadcast %div3A_43 : f32 to vector<8x512xf32>
      %mul3A_44 = arith.mulf %convert_element_type3A_41, %mul3A : vector<8x512xf32>
      %exp3A = math.exp %mul3A_44 : vector<8x512xf32>
      %div3A_45 = arith.constant 1.000000e+00 : f32
      %div3A_46 = vector.broadcast %div3A_45 : f32 to vector<8x512xf32>
      %div3A_47 = arith.divf %div3A_46, %exp3A : vector<8x512xf32>
      %mul3A_48 = arith.constant 512 : i32
      %mul3A_49 = arith.muli %sub3A_40, %mul3A_48 : i32
      %iota3A_50 = tpu.iota {dimensions = array<i32: 0>} : vector<8x512xi32>
      %add3A = vector.broadcast %mul3A_49 : i32 to vector<8x512xi32>
      %add3A_51 = arith.addi %add3A, %iota3A_50 : vector<8x512xi32>
      %mul3A_52 = arith.constant 4 : i32
      %mul3A_53 = vector.broadcast %mul3A_52 : i32 to vector<8x512xi32>
      %mul3A_54 = arith.muli %mul3A_53, %add3A_51 : vector<8x512xi32>
      %sub3A_55 = arith.constant 2048 : i32
      %sub3A_56 = vector.broadcast %sub3A_55 : i32 to vector<8x512xi32>
      %sub3A_57 = arith.subi %sub3A_56, %mul3A_54 : vector<8x512xi32>
      %convert_element_type3A_58 = arith.sitofp %sub3A_57 : vector<8x512xi32> to vector<8x512xf32>
      %mul3A_59 = arith.mulf %convert_element_type3A_58, %div3A_47 : vector<8x512xf32>
      %sin3A = math.sin %mul3A_59 : vector<8x512xf32>
      %cos3A = math.cos %mul3A_59 : vector<8x512xf32>
      %iota3A_60 = tpu.iota {dimensions = array<i32: 1>} : vector<1x512xi32>
      %convert_element_type3A_61 = arith.sitofp %iota3A_60 : vector<1x512xi32> to vector<1x512xf32>
      %log3A_62 = arith.constant 1.000000e+04 : f32
      %log3A_63 = math.log %log3A_62 : f32
      %div3A_64 = arith.constant 5.120000e+02 : f32
      %div3A_65 = arith.divf %log3A_63, %div3A_64 : f32
      %mul3A_66 = vector.broadcast %div3A_65 : f32 to vector<1x512xf32>
      %mul3A_67 = arith.mulf %convert_element_type3A_61, %mul3A_66 : vector<1x512xf32>
      %exp3A_68 = math.exp %mul3A_67 : vector<1x512xf32>
      %div3A_69 = arith.constant 1.000000e+00 : f32
      %div3A_70 = vector.broadcast %div3A_69 : f32 to vector<1x512xf32>
      %div3A_71 = arith.divf %div3A_70, %exp3A_68 : vector<1x512xf32>
      %mul3A_72 = arith.constant -3.200000e+01 : f32
      %mul3A_73 = vector.broadcast %mul3A_72 : f32 to vector<1x512xf32>
      %mul3A_74 = arith.mulf %mul3A_73, %div3A_71 : vector<1x512xf32>
      %cos3A_75 = math.cos %mul3A_74 : vector<1x512xf32>
      %sin3A_76 = math.sin %mul3A_74 : vector<1x512xf32>
      %mul3A_77 = arith.constant -1.280000e+02 : f32
      %mul3A_78 = vector.broadcast %mul3A_77 : f32 to vector<1x512xf32>
      %mul3A_79 = arith.mulf %mul3A_78, %div3A_71 : vector<1x512xf32>
      %cos3A_80 = math.cos %mul3A_79 : vector<1x512xf32>
      %sin3A_81 = math.sin %mul3A_79 : vector<1x512xf32>
      %mul3A_82 = vector.broadcast %cos3A_75 : vector<1x512xf32> to vector<8x512xf32>
      %mul3A_83 = arith.mulf %sin3A, %mul3A_82 : vector<8x512xf32>
      %mul3A_84 = vector.broadcast %sin3A_76 : vector<1x512xf32> to vector<8x512xf32>
      %mul3A_85 = arith.mulf %cos3A, %mul3A_84 : vector<8x512xf32>
      %add3A_86 = arith.addf %mul3A_83, %mul3A_85 : vector<8x512xf32>
      %mul3A_87 = vector.broadcast %cos3A_75 : vector<1x512xf32> to vector<8x512xf32>
      %mul3A_88 = arith.mulf %cos3A, %mul3A_87 : vector<8x512xf32>
      %mul3A_89 = vector.broadcast %sin3A_76 : vector<1x512xf32> to vector<8x512xf32>
      %mul3A_90 = arith.mulf %sin3A, %mul3A_89 : vector<8x512xf32>
      %sub3A_91 = arith.subf %mul3A_88, %mul3A_90 : vector<8x512xf32>
      %mul3A_92 = vector.broadcast %cos3A_75 : vector<1x512xf32> to vector<8x512xf32>
      %mul3A_93 = arith.mulf %add3A_86, %mul3A_92 : vector<8x512xf32>
      %mul3A_94 = vector.broadcast %sin3A_76 : vector<1x512xf32> to vector<8x512xf32>
      %mul3A_95 = arith.mulf %sub3A_91, %mul3A_94 : vector<8x512xf32>
      %add3A_96 = arith.addf %mul3A_93, %mul3A_95 : vector<8x512xf32>
      %mul3A_97 = vector.broadcast %cos3A_75 : vector<1x512xf32> to vector<8x512xf32>
      %mul3A_98 = arith.mulf %sub3A_91, %mul3A_97 : vector<8x512xf32>
      %mul3A_99 = vector.broadcast %sin3A_76 : vector<1x512xf32> to vector<8x512xf32>
      %mul3A_100 = arith.mulf %add3A_86, %mul3A_99 : vector<8x512xf32>
      %sub3A_101 = arith.subf %mul3A_98, %mul3A_100 : vector<8x512xf32>
      %mul3A_102 = vector.broadcast %cos3A_75 : vector<1x512xf32> to vector<8x512xf32>
      %mul3A_103 = arith.mulf %add3A_96, %mul3A_102 : vector<8x512xf32>
      %mul3A_104 = vector.broadcast %sin3A_76 : vector<1x512xf32> to vector<8x512xf32>
      %mul3A_105 = arith.mulf %sub3A_101, %mul3A_104 : vector<8x512xf32>
      %add3A_106 = arith.addf %mul3A_103, %mul3A_105 : vector<8x512xf32>
      %mul3A_107 = vector.broadcast %cos3A_75 : vector<1x512xf32> to vector<8x512xf32>
      %mul3A_108 = arith.mulf %sub3A_101, %mul3A_107 : vector<8x512xf32>
      %mul3A_109 = vector.broadcast %sin3A_76 : vector<1x512xf32> to vector<8x512xf32>
      %mul3A_110 = arith.mulf %add3A_96, %mul3A_109 : vector<8x512xf32>
      %sub3A_111 = arith.subf %mul3A_108, %mul3A_110 : vector<8x512xf32>
      %concatenate3A = tpu.concatenate %sin3A, %add3A_86, %add3A_96, %add3A_106 in 0 : vector<8x512xf32>, vector<8x512xf32>, vector<8x512xf32>, vector<8x512xf32> -> vector<32x512xf32>
      %concatenate3A_112 = tpu.concatenate %cos3A, %sub3A_91, %sub3A_101, %sub3A_111 in 0 : vector<8x512xf32>, vector<8x512xf32>, vector<8x512xf32>, vector<8x512xf32> -> vector<32x512xf32>
      %swap3A = arith.constant 0 : index
      %swap3A_113 = arith.constant 0 : index
      %swap3A_114 = vector.load %arg5[%swap3A, %swap3A_113] : memref<512x1024xf32, #tpu.memory_space<vmem>>, vector<32x512xf32>
      tpu.vector_store %arg5[%swap3A, %swap3A_113], %concatenate3A {strides = array<i32>} : memref<512x1024xf32, #tpu.memory_space<vmem>>, vector<32x512xf32>,
      %swap3A_115 = arith.constant 0 : index
      %swap3A_116 = arith.constant 512 : index
      %swap3A_117 = vector.load %arg5[%swap3A_115, %swap3A_116] : memref<512x1024xf32, #tpu.memory_space<vmem>>, vector<32x512xf32>
      tpu.vector_store %arg5[%swap3A_115, %swap3A_116], %concatenate3A_112 {strides = array<i32>} : memref<512x1024xf32, #tpu.memory_space<vmem>>, vector<32x512xf32>,
      %scan3A = arith.constant 1 : i32
      %scan3A_118 = arith.constant 15 : i32
      %scan3A_119 = arith.addi %scan3A, %scan3A_118 : i32
      %scan3A_120 = arith.constant 1 : i32
      %scan3A_121:2 = scf.for %scan3A_123 = %scan3A to %scan3A_119 step %scan3A_120 iter_args(%scan3A_124 = %concatenate3A, %scan3A_125 = %concatenate3A_112) -> (vector<32x512xf32>, vector<32x512xf32>)  : i32 {
        %mul3A_126 = vector.broadcast %cos3A_80 : vector<1x512xf32> to vector<32x512xf32>
        %mul3A_127 = arith.mulf %scan3A_124, %mul3A_126 : vector<32x512xf32>
        %mul3A_128 = vector.broadcast %sin3A_81 : vector<1x512xf32> to vector<32x512xf32>
        %mul3A_129 = arith.mulf %scan3A_125, %mul3A_128 : vector<32x512xf32>
        %add3A_130 = arith.addf %mul3A_127, %mul3A_129 : vector<32x512xf32>
        %mul3A_131 = vector.broadcast %cos3A_80 : vector<1x512xf32> to vector<32x512xf32>
        %mul3A_132 = arith.mulf %scan3A_125, %mul3A_131 : vector<32x512xf32>
        %mul3A_133 = vector.broadcast %sin3A_81 : vector<1x512xf32> to vector<32x512xf32>
        %mul3A_134 = arith.mulf %scan3A_124, %mul3A_133 : vector<32x512xf32>
        %sub3A_135 = arith.subf %mul3A_132, %mul3A_134 : vector<32x512xf32>
        %mul3A_136 = arith.constant 32 : i32
        %mul3A_137 = arith.muli %scan3A_123, %mul3A_136 : i32
        %swap3A_138 = arith.index_cast %mul3A_137 : i32 to index
        %swap3A_139 = arith.constant 0 : index
        %swap3A_140 = vector.load %arg5[%swap3A_138, %swap3A_139] : memref<512x1024xf32, #tpu.memory_space<vmem>>, vector<32x512xf32>
        tpu.vector_store %arg5[%swap3A_138, %swap3A_139], %add3A_130 {strides = array<i32>} : memref<512x1024xf32, #tpu.memory_space<vmem>>, vector<32x512xf32>,
        %mul3A_141 = arith.constant 32 : i32
        %mul3A_142 = arith.muli %scan3A_123, %mul3A_141 : i32
        %swap3A_143 = arith.index_cast %mul3A_142 : i32 to index
        %swap3A_144 = arith.constant 512 : index
        %swap3A_145 = vector.load %arg5[%swap3A_143, %swap3A_144] : memref<512x1024xf32, #tpu.memory_space<vmem>>, vector<32x512xf32>
        tpu.vector_store %arg5[%swap3A_143, %swap3A_144], %sub3A_135 {strides = array<i32>} : memref<512x1024xf32, #tpu.memory_space<vmem>>, vector<32x512xf32>,
        scf.yield %add3A_130, %sub3A_135 : vector<32x512xf32>, vector<32x512xf32>
      }
      %scan3A_122 = arith.constant 15 : i32
    } else {
    }
    %ge3A_27 = arith.constant 22 : i32
    %ge3A_28 = arith.cmpi sge, %arg0, %ge3A_27 : i32
    %lt3A_29 = arith.constant 26 : i32
    %lt3A_30 = arith.cmpi slt, %arg0, %lt3A_29 : i32
    %and3A_31 = arith.andi %ge3A_28, %lt3A_30 : i1
    %convert_element_type3A_32 = arith.extui %and3A_31 : i1 to i32
    %cond3A_33 = arith.constant 0 : i32
    %cond3A_34 = arith.cmpi ne, %convert_element_type3A_32, %cond3A_33 : i32
    scf.if %cond3A_34 {
      %sub3A = arith.constant 22 : i32
      %sub3A_40 = arith.subi %arg0, %sub3A : i32
      %iota3A = tpu.iota {dimensions = array<i32: 1>} : vector<8x512xi32>
      %convert_element_type3A_41 = arith.sitofp %iota3A : vector<8x512xi32> to vector<8x512xf32>
      %log3A = arith.constant 1.000000e+04 : f32
      %log3A_42 = math.log %log3A : f32
      %div3A = arith.constant 5.120000e+02 : f32
      %div3A_43 = arith.divf %log3A_42, %div3A : f32
      %mul3A = vector.broadcast %div3A_43 : f32 to vector<8x512xf32>
      %mul3A_44 = arith.mulf %convert_element_type3A_41, %mul3A : vector<8x512xf32>
      %exp3A = math.exp %mul3A_44 : vector<8x512xf32>
      %div3A_45 = arith.constant 1.000000e+00 : f32
      %div3A_46 = vector.broadcast %div3A_45 : f32 to vector<8x512xf32>
      %div3A_47 = arith.divf %div3A_46, %exp3A : vector<8x512xf32>
      %mul3A_48 = arith.constant 512 : i32
      %mul3A_49 = arith.muli %sub3A_40, %mul3A_48 : i32
      %iota3A_50 = tpu.iota {dimensions = array<i32: 0>} : vector<8x512xi32>
      %add3A = vector.broadcast %mul3A_49 : i32 to vector<8x512xi32>
      %add3A_51 = arith.addi %add3A, %iota3A_50 : vector<8x512xi32>
      %mul3A_52 = arith.constant 2 : i32
      %mul3A_53 = vector.broadcast %mul3A_52 : i32 to vector<8x512xi32>
      %mul3A_54 = arith.muli %mul3A_53, %add3A_51 : vector<8x512xi32>
      %sub3A_55 = arith.constant 2046 : i32
      %sub3A_56 = vector.broadcast %sub3A_55 : i32 to vector<8x512xi32>
      %sub3A_57 = arith.subi %sub3A_56, %mul3A_54 : vector<8x512xi32>
      %convert_element_type3A_58 = arith.sitofp %sub3A_57 : vector<8x512xi32> to vector<8x512xf32>
      %mul3A_59 = arith.mulf %convert_element_type3A_58, %div3A_47 : vector<8x512xf32>
      %sin3A = math.sin %mul3A_59 : vector<8x512xf32>
      %cos3A = math.cos %mul3A_59 : vector<8x512xf32>
      %iota3A_60 = tpu.iota {dimensions = array<i32: 1>} : vector<1x512xi32>
      %convert_element_type3A_61 = arith.sitofp %iota3A_60 : vector<1x512xi32> to vector<1x512xf32>
      %log3A_62 = arith.constant 1.000000e+04 : f32
      %log3A_63 = math.log %log3A_62 : f32
      %div3A_64 = arith.constant 5.120000e+02 : f32
      %div3A_65 = arith.divf %log3A_63, %div3A_64 : f32
      %mul3A_66 = vector.broadcast %div3A_65 : f32 to vector<1x512xf32>
      %mul3A_67 = arith.mulf %convert_element_type3A_61, %mul3A_66 : vector<1x512xf32>
      %exp3A_68 = math.exp %mul3A_67 : vector<1x512xf32>
      %div3A_69 = arith.constant 1.000000e+00 : f32
      %div3A_70 = vector.broadcast %div3A_69 : f32 to vector<1x512xf32>
      %div3A_71 = arith.divf %div3A_70, %exp3A_68 : vector<1x512xf32>
      %mul3A_72 = arith.constant -1.600000e+01 : f32
      %mul3A_73 = vector.broadcast %mul3A_72 : f32 to vector<1x512xf32>
      %mul3A_74 = arith.mulf %mul3A_73, %div3A_71 : vector<1x512xf32>
      %cos3A_75 = math.cos %mul3A_74 : vector<1x512xf32>
      %sin3A_76 = math.sin %mul3A_74 : vector<1x512xf32>
      %mul3A_77 = arith.constant -6.400000e+01 : f32
      %mul3A_78 = vector.broadcast %mul3A_77 : f32 to vector<1x512xf32>
      %mul3A_79 = arith.mulf %mul3A_78, %div3A_71 : vector<1x512xf32>
      %cos3A_80 = math.cos %mul3A_79 : vector<1x512xf32>
      %sin3A_81 = math.sin %mul3A_79 : vector<1x512xf32>
      %mul3A_82 = vector.broadcast %cos3A_75 : vector<1x512xf32> to vector<8x512xf32>
      %mul3A_83 = arith.mulf %sin3A, %mul3A_82 : vector<8x512xf32>
      %mul3A_84 = vector.broadcast %sin3A_76 : vector<1x512xf32> to vector<8x512xf32>
      %mul3A_85 = arith.mulf %cos3A, %mul3A_84 : vector<8x512xf32>
      %add3A_86 = arith.addf %mul3A_83, %mul3A_85 : vector<8x512xf32>
      %mul3A_87 = vector.broadcast %cos3A_75 : vector<1x512xf32> to vector<8x512xf32>
      %mul3A_88 = arith.mulf %cos3A, %mul3A_87 : vector<8x512xf32>
      %mul3A_89 = vector.broadcast %sin3A_76 : vector<1x512xf32> to vector<8x512xf32>
      %mul3A_90 = arith.mulf %sin3A, %mul3A_89 : vector<8x512xf32>
      %sub3A_91 = arith.subf %mul3A_88, %mul3A_90 : vector<8x512xf32>
      %mul3A_92 = vector.broadcast %cos3A_75 : vector<1x512xf32> to vector<8x512xf32>
      %mul3A_93 = arith.mulf %add3A_86, %mul3A_92 : vector<8x512xf32>
      %mul3A_94 = vector.broadcast %sin3A_76 : vector<1x512xf32> to vector<8x512xf32>
      %mul3A_95 = arith.mulf %sub3A_91, %mul3A_94 : vector<8x512xf32>
      %add3A_96 = arith.addf %mul3A_93, %mul3A_95 : vector<8x512xf32>
      %mul3A_97 = vector.broadcast %cos3A_75 : vector<1x512xf32> to vector<8x512xf32>
      %mul3A_98 = arith.mulf %sub3A_91, %mul3A_97 : vector<8x512xf32>
      %mul3A_99 = vector.broadcast %sin3A_76 : vector<1x512xf32> to vector<8x512xf32>
      %mul3A_100 = arith.mulf %add3A_86, %mul3A_99 : vector<8x512xf32>
      %sub3A_101 = arith.subf %mul3A_98, %mul3A_100 : vector<8x512xf32>
      %mul3A_102 = vector.broadcast %cos3A_75 : vector<1x512xf32> to vector<8x512xf32>
      %mul3A_103 = arith.mulf %add3A_96, %mul3A_102 : vector<8x512xf32>
      %mul3A_104 = vector.broadcast %sin3A_76 : vector<1x512xf32> to vector<8x512xf32>
      %mul3A_105 = arith.mulf %sub3A_101, %mul3A_104 : vector<8x512xf32>
      %add3A_106 = arith.addf %mul3A_103, %mul3A_105 : vector<8x512xf32>
      %mul3A_107 = vector.broadcast %cos3A_75 : vector<1x512xf32> to vector<8x512xf32>
      %mul3A_108 = arith.mulf %sub3A_101, %mul3A_107 : vector<8x512xf32>
      %mul3A_109 = vector.broadcast %sin3A_76 : vector<1x512xf32> to vector<8x512xf32>
      %mul3A_110 = arith.mulf %add3A_96, %mul3A_109 : vector<8x512xf32>
      %sub3A_111 = arith.subf %mul3A_108, %mul3A_110 : vector<8x512xf32>
      %concatenate3A = tpu.concatenate %sin3A, %add3A_86, %add3A_96, %add3A_106 in 0 : vector<8x512xf32>, vector<8x512xf32>, vector<8x512xf32>, vector<8x512xf32> -> vector<32x512xf32>
      %concatenate3A_112 = tpu.concatenate %cos3A, %sub3A_91, %sub3A_101, %sub3A_111 in 0 : vector<8x512xf32>, vector<8x512xf32>, vector<8x512xf32>, vector<8x512xf32> -> vector<32x512xf32>
      %swap3A = arith.constant 0 : index
      %swap3A_113 = arith.constant 0 : index
      %swap3A_114 = vector.load %arg6[%swap3A, %swap3A_113] : memref<512x1024xf32, #tpu.memory_space<vmem>>, vector<32x512xf32>
      tpu.vector_store %arg6[%swap3A, %swap3A_113], %concatenate3A {strides = array<i32>} : memref<512x1024xf32, #tpu.memory_space<vmem>>, vector<32x512xf32>,
      %swap3A_115 = arith.constant 0 : index
      %swap3A_116 = arith.constant 512 : index
      %swap3A_117 = vector.load %arg6[%swap3A_115, %swap3A_116] : memref<512x1024xf32, #tpu.memory_space<vmem>>, vector<32x512xf32>
      tpu.vector_store %arg6[%swap3A_115, %swap3A_116], %concatenate3A_112 {strides = array<i32>} : memref<512x1024xf32, #tpu.memory_space<vmem>>, vector<32x512xf32>,
      %scan3A = arith.constant 1 : i32
      %scan3A_118 = arith.constant 15 : i32
      %scan3A_119 = arith.addi %scan3A, %scan3A_118 : i32
      %scan3A_120 = arith.constant 1 : i32
      %scan3A_121:2 = scf.for %scan3A_123 = %scan3A to %scan3A_119 step %scan3A_120 iter_args(%scan3A_124 = %concatenate3A, %scan3A_125 = %concatenate3A_112) -> (vector<32x512xf32>, vector<32x512xf32>)  : i32 {
        %mul3A_126 = vector.broadcast %cos3A_80 : vector<1x512xf32> to vector<32x512xf32>
        %mul3A_127 = arith.mulf %scan3A_124, %mul3A_126 : vector<32x512xf32>
        %mul3A_128 = vector.broadcast %sin3A_81 : vector<1x512xf32> to vector<32x512xf32>
        %mul3A_129 = arith.mulf %scan3A_125, %mul3A_128 : vector<32x512xf32>
        %add3A_130 = arith.addf %mul3A_127, %mul3A_129 : vector<32x512xf32>
        %mul3A_131 = vector.broadcast %cos3A_80 : vector<1x512xf32> to vector<32x512xf32>
        %mul3A_132 = arith.mulf %scan3A_125, %mul3A_131 : vector<32x512xf32>
        %mul3A_133 = vector.broadcast %sin3A_81 : vector<1x512xf32> to vector<32x512xf32>
        %mul3A_134 = arith.mulf %scan3A_124, %mul3A_133 : vector<32x512xf32>
        %sub3A_135 = arith.subf %mul3A_132, %mul3A_134 : vector<32x512xf32>
        %mul3A_136 = arith.constant 32 : i32
        %mul3A_137 = arith.muli %scan3A_123, %mul3A_136 : i32
        %swap3A_138 = arith.index_cast %mul3A_137 : i32 to index
        %swap3A_139 = arith.constant 0 : index
        %swap3A_140 = vector.load %arg6[%swap3A_138, %swap3A_139] : memref<512x1024xf32, #tpu.memory_space<vmem>>, vector<32x512xf32>
        tpu.vector_store %arg6[%swap3A_138, %swap3A_139], %add3A_130 {strides = array<i32>} : memref<512x1024xf32, #tpu.memory_space<vmem>>, vector<32x512xf32>,
        %mul3A_141 = arith.constant 32 : i32
        %mul3A_142 = arith.muli %scan3A_123, %mul3A_141 : i32
        %swap3A_143 = arith.index_cast %mul3A_142 : i32 to index
        %swap3A_144 = arith.constant 512 : index
        %swap3A_145 = vector.load %arg6[%swap3A_143, %swap3A_144] : memref<512x1024xf32, #tpu.memory_space<vmem>>, vector<32x512xf32>
        tpu.vector_store %arg6[%swap3A_143, %swap3A_144], %sub3A_135 {strides = array<i32>} : memref<512x1024xf32, #tpu.memory_space<vmem>>, vector<32x512xf32>,
        scf.yield %add3A_130, %sub3A_135 : vector<32x512xf32>, vector<32x512xf32>
      }
      %scan3A_122 = arith.constant 15 : i32
    } else {
    }
    %lt3A_35 = arith.constant 8 : i32
    %lt3A_36 = arith.cmpi slt, %arg0, %lt3A_35 : i32
    %convert_element_type3A_37 = arith.extui %lt3A_36 : i1 to i32
    %cond3A_38 = arith.constant 0 : i32
    %cond3A_39 = arith.cmpi ne, %convert_element_type3A_37, %cond3A_38 : i32
    scf.if %cond3A_39 {
      %mul3A = arith.constant 256 : i32
      %mul3A_40 = arith.muli %arg0, %mul3A : i32
      %get3A = arith.constant 0 : index
      %get3A_41 = arith.constant 0 : index
      %get3A_42 = arith.index_cast %mul3A_40 : i32 to index
      %get3A_43 = vector.load %arg1[%get3A, %get3A_41, %get3A_42] : memref<2x1x2048xi32, #tpu.memory_space<vmem>>, vector<2x1x256xi32>
      %get3A_44 = vector.shape_cast %get3A_43 : vector<2x1x256xi32> to vector<2x256xi32>
      %convert_element_type3A_45 = arith.trunci %get3A_44 : vector<2x256xi32> to vector<2x256xi8>
      %broadcast_in_dim3A = vector.shape_cast %convert_element_type3A_45 : vector<2x256xi8> to vector<2x256x1xi8>
      %get3A_46 = arith.constant 0 : index
      %get3A_47 = arith.constant 0 : index
      %get3A_48 = arith.constant 0 : index
      %get3A_49 = vector.load %arg1[%get3A_46, %get3A_47, %get3A_48] : memref<2x1x2048xi32, #tpu.memory_space<vmem>>, vector<2x1x2048xi32>
      %get3A_50 = vector.shape_cast %get3A_49 : vector<2x1x2048xi32> to vector<2x2048xi32>
      %convert_element_type3A_51 = arith.trunci %get3A_50 : vector<2x2048xi32> to vector<2x2048xi8>
      %broadcast_in_dim3A_52 = vector.shape_cast %convert_element_type3A_51 : vector<2x2048xi8> to vector<2x1x2048xi8>
      %eq3A = vector.broadcast %broadcast_in_dim3A : vector<2x256x1xi8> to vector<2x256x2048xi8>
      %eq3A_53 = vector.broadcast %broadcast_in_dim3A_52 : vector<2x1x2048xi8> to vector<2x256x2048xi8>
      %eq3A_54 = arith.cmpi eq, %eq3A, %eq3A_53 : vector<2x256x2048xi8>
      %eq3A_55 = arith.constant 2 : i8
      %eq3A_56 = vector.broadcast %eq3A_55 : i8 to vector<2x256x1xi8>
      %eq3A_57 = arith.cmpi eq, %broadcast_in_dim3A, %eq3A_56 : vector<2x256x1xi8>
      %or3A = vector.broadcast %eq3A_57 : vector<2x256x1xi1> to vector<2x256x2048xi1>
      %or3A_58 = arith.ori %eq3A_54, %or3A : vector<2x256x2048xi1>
      %eq3A_59 = arith.constant 2 : i8
      %eq3A_60 = vector.broadcast %eq3A_59 : i8 to vector<2x1x2048xi8>
      %eq3A_61 = arith.cmpi eq, %broadcast_in_dim3A_52, %eq3A_60 : vector<2x1x2048xi8>
      %or3A_62 = vector.broadcast %eq3A_61 : vector<2x1x2048xi1> to vector<2x256x2048xi1>
      %or3A_63 = arith.ori %or3A_58, %or3A_62 : vector<2x256x2048xi1>
      %convert_element_type3A_64 = arith.extui %or3A_63 : vector<2x256x2048xi1> to vector<2x256x2048xi8>
      %swap3A = arith.constant 0 : index
      %swap3A_65 = arith.constant 0 : index
      %swap3A_66 = arith.constant 0 : index
      %swap3A_67 = vector.load %arg7[%swap3A, %swap3A_65, %swap3A_66] : memref<2x256x2048xi8, #tpu.memory_space<vmem>>, vector<2x256x2048xi8>
      tpu.vector_store %arg7[%swap3A, %swap3A_65, %swap3A_66], %convert_element_type3A_64 {strides = array<i32>} : memref<2x256x2048xi8, #tpu.memory_space<vmem>>, vector<2x256x2048xi8>,
    } else {
    }
    return
  }
  func.func @transform_0(%arg0: i32) -> (i32, i32, i32) {
    %c0_i32 = arith.constant 0 : i32
    %c0_i32_0 = arith.constant 0 : i32
    %c0_i32_1 = arith.constant 0 : i32
    %c0_i32_2 = arith.constant 0 : i32
    return %c0_i32, %c0_i32_0, %c0_i32_1 : i32, i32, i32
  }
  func.func @transform_1(%arg0: i32) -> (i32, i32) {
    %sub3A = arith.constant 0 : i32
    %sub3A_0 = arith.subi %arg0, %sub3A : i32
    %jit3A = arith.constant 0 : i32
    %jit3A_1 = arith.constant 7 : i32
    %max3A = arith.maxsi %jit3A, %sub3A_0 : i32
    %min3A = arith.minsi %jit3A_1, %max3A : i32
    %c0_i32 = arith.constant 0 : i32
    %c0_i32_2 = arith.constant 0 : i32
    return %min3A, %c0_i32 : i32, i32
  }
  func.func @transform_2(%arg0: i32) -> (i32, i32) {
    %sub3A = arith.constant 8 : i32
    %sub3A_0 = arith.subi %arg0, %sub3A : i32
    %jit3A = arith.constant 0 : i32
    %jit3A_1 = arith.constant 3 : i32
    %max3A = arith.maxsi %jit3A, %sub3A_0 : i32
    %min3A = arith.minsi %jit3A_1, %max3A : i32
    %c0_i32 = arith.constant 0 : i32
    %c0_i32_2 = arith.constant 0 : i32
    return %min3A, %c0_i32 : i32, i32
  }
  func.func @transform_3(%arg0: i32) -> (i32, i32) {
    %sub3A = arith.constant 12 : i32
    %sub3A_0 = arith.subi %arg0, %sub3A : i32
    %jit3A = arith.constant 0 : i32
    %jit3A_1 = arith.constant 7 : i32
    %max3A = arith.maxsi %jit3A, %sub3A_0 : i32
    %min3A = arith.minsi %jit3A_1, %max3A : i32
    %c0_i32 = arith.constant 0 : i32
    %c0_i32_2 = arith.constant 0 : i32
    return %min3A, %c0_i32 : i32, i32
  }
  func.func @transform_4(%arg0: i32) -> (i32, i32) {
    %sub3A = arith.constant 20 : i32
    %sub3A_0 = arith.subi %arg0, %sub3A : i32
    %jit3A = arith.constant 0 : i32
    %jit3A_1 = arith.constant 1 : i32
    %max3A = arith.maxsi %jit3A, %sub3A_0 : i32
    %min3A = arith.minsi %jit3A_1, %max3A : i32
    %c0_i32 = arith.constant 0 : i32
    %c0_i32_2 = arith.constant 0 : i32
    return %min3A, %c0_i32 : i32, i32
  }
  func.func @transform_5(%arg0: i32) -> (i32, i32) {
    %sub3A = arith.constant 22 : i32
    %sub3A_0 = arith.subi %arg0, %sub3A : i32
    %jit3A = arith.constant 0 : i32
    %jit3A_1 = arith.constant 3 : i32
    %max3A = arith.maxsi %jit3A, %sub3A_0 : i32
    %min3A = arith.minsi %jit3A_1, %max3A : i32
    %c0_i32 = arith.constant 0 : i32
    %c0_i32_2 = arith.constant 0 : i32
    return %min3A, %c0_i32 : i32, i32
  }
  func.func @transform_6(%arg0: i32) -> (i32, i32, i32) {
    %jit3A = arith.constant 0 : i32
    %jit3A_0 = arith.constant 7 : i32
    %max3A = arith.maxsi %jit3A, %arg0 : i32
    %min3A = arith.minsi %jit3A_0, %max3A : i32
    %c0_i32 = arith.constant 0 : i32
    %c0_i32_1 = arith.constant 0 : i32
    %c0_i32_2 = arith.constant 0 : i32
    return %c0_i32, %min3A, %c0_i32_1 : i32, i32, i32
  }
}

</mosaic_0001>

<sc_bundles>
// kernel: kernel.4.cloned.1.call-start
scs
__scs_entry_jumppad:
0x0: {  	(pc) =	sbr.rel $0x88, $3  }
0x1: {  	(tag) =	ssettag $0x0;
	lr =	simm.s32 $0x1  }
0x2: {  	[smem:$0x3F9F] =	sst lr;
	_ =	strace $0xD0000000  }
0x3: {  	_ = 	snop  }
0x4: {  	_ = 	snop  }
0x5: {  	_ = 	snop  }
0x6: {  	_ = 	snop  }
0x7: {  	_ = 	snop  }
__scs_overlays_trampoline_lowered:
0x8: {  	[smem:$0x3FAE] =	sst s0  }
0x9: {  	[smem:$0x3FAF] =	sst s1  }
0xa: {  	[smem:$0x3FB0] =	sst s2  }
0xb: {  	[smem:$0x3FB1] =	sst s3  }
0xc: {  	[smem:$0x3FB2] =	sst s4  }
0xd: {  	[smem:$0x3FB3] =	sst s5  }
0xe: {  	[smem:$0x3FB4] =	sst s6  }
0xf: {  	[smem:$0x3FB5] =	sst s7  }
0x10: {  	[smem:$0x3FB6] =	sst s8  }
0x11: {  	[smem:$0x3FB7] =	sst s9;
	s0 =	simm.s32 @!p0 $0x0  }
0x12: {  	s1 =	sld [smem:$0x3F9D];
	s0 =	simm.s32 @p0 $0x1  }
0x13: {  	[smem:$0x3FB8] =	sst s0;
	s0 =	simm.s32 @!p1 $0x0  }
0x14: {  	s2 =	sld [smem:$0x3F9C];
	s0 =	simm.s32 @p1 $0x1  }
0x15: {  	[smem:$0x3FB9] =	sst s0;
	s0 =	simm.s32 @!p2 $0x0  }
0x16: {  	s3 =	sld [smem:$0x3FDB];
	s0 =	simm.s32 @p2 $0x1  }
0x17: {  	s4 =	simm.s32 $0x1BF5;
	[smem:$0x3FBB] =	sst s0  }
0x18: {  	s0 =	sld [smem:$0x3F9E];
	_ =	swait.ge [sflag:s4], $0x0  }
0x19: {  	s7 =	sld [smem:$0x3F9F]  }
0x1a: {  	s8 =	sadd.s32 $0xFFFFE003, lr  }
0x1b: {  	s9 =	sadd.s32 $0xFFFFFEF7, lr;
	s5 =	simm.s32 $0xFFFFFFFF;
	p2 =	slt.u32 s8, $0xFFFFF086  }
0x1c: {  	p1 =	slt.u32 s9, $0xF7A;
	s5 =	simm.s32 @!p2 $0x0  }
0x1d: {  	s5 =	simm.s32 @p1 $0x1;
	p0 =	seq.s32 s7, s2  }
0x1e: {  	s7 =	smul.u32 @!p0 $0xF7A, s2;
	p2 =	seq.s32 @!p0 s5, $0x0  }
0x1f: {  	s9 =	smul.u32 $0xF7A, s1;
	s8 =	simm.s32 @!p0 $0x1BF5;
	p2 =	por !p2, p0  }
0x20: {  	[sflag:s8] =	ssyncset.s32 @!p0 $0xFFFFF086;
	s6 =	sadd.s32 @!p0 s3, s7;
	s7 =	simm.s32 @!p0 $0x108  }
0x21: {  	s3 =	sadd.s32 s3, s9;
	s6 =	sadd.s32 @!p0 $0x88, s6;
	s7 =	simm.s32 @p2 $0x1082  }
0x22: {  	[simem:s7], [sflag:s8] =	dma.local @!p0 [hbm:s6], $0xF7A  }
0x23: {  	s9 =	sor.u32 $0xD0000000, s2;
	s6 =	simm.s32 $0x108;
	_ =	swait.ge @!p0 [sflag:s8], $0x0  }
0x24: {  	s3 =	sadd.s32 $0x88, s3;
	s6 =	simm.s32 @!p1 $0x1082;
	[sflag:s4] =	ssyncset.s32 $0xFFFFF086  }
0x25: {  	[simem:s6], [sflag:s4] =	dma.local [hbm:s3], $0xF7A  }
0x26: {  	[smem:$0x3F9F] =	sst s1;
	(tag) =	ssettag s2;
	_ =	strace s9  }
0x27: {  	s1 =	sld [smem:$0x3FAF]  }
0x28: {  	s2 =	sld [smem:$0x3FB0]  }
0x29: {  	s4 =	sld [smem:$0x3FB2]  }
0x2a: {  	p0 =	seq.s32 s5, $0x0;
	s5 =	sld [smem:$0x3FB3]  }
0x2b: {  	s6 =	sld [smem:$0x3FB4]  }
0x2c: {  	s7 =	sld [smem:$0x3FB5]  }
0x2d: {  	s3 =	simm.s32 $0x108;
	s8 =	sld [smem:$0x3FB6]  }
0x2e: {  	s3 =	simm.s32 @!p0 $0x1082;
	s9 =	sld [smem:$0x3FB7]  }
0x2f: {  	lr =	sadd.s32 s0, s3;
	s0 =	sld [smem:$0x3FAE]  }
0x30: {  	s3 =	sld [smem:$0x3FB1]  }
0x31: {  	[smem:$0x3FBA] =	sst s10  }
0x32: {  	s10 =	sld [smem:$0x3FB8];
	_ =	sdelay $0x3  }
0x33: {  	p0 =	seq.s32 s10, $0x1;
	s10 =	sld [smem:$0x3FBA];
	_ =	sdelay $0x3  }
0x34: {  	[smem:$0x3FBA] =	sst s10  }
0x35: {  	s10 =	sld [smem:$0x3FB9];
	_ =	sdelay $0x3  }
0x36: {  	p1 =	seq.s32 s10, $0x1;
	s10 =	sld [smem:$0x3FBA];
	_ =	sdelay $0x3  }
0x37: {  	[smem:$0x3FBA] =	sst s10  }
0x38: {  	s10 =	sld [smem:$0x3FBB]  }
0x39: {  	_ = 	snop;
	(pc) =	sbr.ind lr, $3  }
0x3a: {  	_ = 	snop  }
0x3b: {  	_ = 	snop  }
0x3c: {  	p2 =	seq.s32 s10, $0x1;
	s10 =	sld [smem:$0x3FBA]  }
0x3d: {  	_ =	shalt  }
0x3e: {  	_ =	shalt  }
0x3f: {  	_ =	shalt  }
0x40: {  	_ =	shalt  }
0x41: {  	_ =	shalt  }
0x42: {  	_ =	shalt  }
0x43: {  	_ =	shalt  }
0x44: {  	_ =	shalt  }
0x45: {  	_ =	shalt  }
0x46: {  	_ =	shalt  }
0x47: {  	_ =	shalt  }
0x48: {  	_ =	shalt  }
0x49: {  	_ =	shalt  }
0x4a: {  	_ =	shalt  }
0x4b: {  	_ =	shalt  }
0x4c: {  	_ =	shalt  }
0x4d: {  	_ =	shalt  }
0x4e: {  	_ =	shalt  }
0x4f: {  	_ =	shalt  }
0x50: {  	_ =	shalt  }
0x51: {  	_ =	shalt  }
0x52: {  	_ =	shalt  }
0x53: {  	_ =	shalt  }
0x54: {  	_ =	shalt  }
0x55: {  	_ =	shalt  }
0x56: {  	_ =	shalt  }
0x57: {  	_ =	shalt  }
0x58: {  	_ =	shalt  }
0x59: {  	_ =	shalt  }
0x5a: {  	_ =	shalt  }
0x5b: {  	_ =	shalt  }
0x5c: {  	_ =	shalt  }
0x5d: {  	_ =	shalt  }
0x5e: {  	_ =	shalt  }
0x5f: {  	_ =	shalt  }
0x60: {  	_ =	shalt  }
0x61: {  	_ =	shalt  }
0x62: {  	_ =	shalt  }
0x63: {  	_ =	shalt  }
0x64: {  	_ =	shalt  }
0x65: {  	_ =	shalt  }
0x66: {  	_ =	shalt  }
0x67: {  	_ =	shalt  }
0x68: {  	_ =	shalt  }
0x69: {  	_ =	shalt  }
0x6a: {  	_ =	shalt  }
0x6b: {  	_ =	shalt  }
0x6c: {  	_ =	shalt  }
0x6d: {  	_ =	shalt  }
0x6e: {  	_ =	shalt  }
0x6f: {  	_ =	shalt  }
0x70: {  	_ =	shalt  }
0x71: {  	_ =	shalt  }
0x72: {  	_ =	shalt  }
0x73: {  	_ =	shalt  }
0x74: {  	_ =	shalt  }
0x75: {  	_ =	shalt  }
0x76: {  	_ =	shalt  }
0x77: {  	_ =	shalt  }
0x78: {  	_ =	shalt  }
0x79: {  	_ =	shalt  }
0x7a: {  	_ =	shalt  }
0x7b: {  	_ =	shalt  }
0x7c: {  	_ =	shalt  }
0x7d: {  	_ =	shalt  }
0x7e: {  	_ =	shalt  }
0x7f: {  	_ =	shalt  }
0x80: {  	_ =	shalt  }
0x81: {  	_ =	shalt  }
0x82: {  	_ =	shalt  }
0x83: {  	_ =	shalt  }
0x84: {  	_ =	shalt  }
0x85: {  	_ =	shalt  }
0x86: {  	_ =	shalt  }
0x87: {  	_ =	shalt  }
.Lfunc_end0:
.L_simem_size_0:
called_computation_lowered:
.L_overlay_start_0:
0x88: {  	s2 =	sld [smem:$0x3FD9]  }
0x89: {  	s3 =	sld [smem:$0x3FFE];
	_ =	sdelay $0x1  }
0x8a: {  	s1 =	srdreg.scid  }
0x8b: {  	s0 =	sand.u32 $0x1, s1  }
0x8c: {  	s15 =	sshll.u32 s0, $0xA;
	s2 =	sadd.s32 s3, s2  }
0x8d: {  	s2 =	sadd.s32 s2, s15  }
0x8e: {  	[smem:$0x3FC6] =	sst s2  }
0x8f: {  	_ = 	snop  }
0x90: {  	s2 =	sld [smem:$0x3FD0];
	_ =	sdelay $0x2  }
0x91: {  	s16 =	simm.s32 $0xA;
	s4 =	simm.s32 $0x10  }
0x92: {  	[smem:s4], [sflag:s16] =	dma.local [hbm:s2], $0x1  }
0x93: {  	_ =	swait.eq [sflag:s16], $0x1  }
0x94: {  	[sflag:s16] =	ssyncset.done $0x0  }
0x95: {  	[sflag:s16] =	ssyncadd.s32 $0xFFFFFFFF  }
0x96: {  	s17 =	sld [smem:$0x17];
	(tm) =	ssettm $0x1  }
0x97: {  	s18 =	sld [smem:$0x3FFB];
	_ =	sdelay $0x3  }
0x98: {  	_ =	strace s18  }
0x99: {  	s3 =	sld [smem:$0x3FFC];
	_ =	sdelay $0x3  }
0x9a: {  	_ =	strace s3  }
0x9b: {  	s3 =	sld [smem:$0x3FFD];
	_ =	sdelay $0x3  }
0x9c: {  	_ =	strace s3  }
0x9d: {  	_ =	strace $0x8FFFFFFF  }
0x9e: {  	s19 =	sld [smem:$0x3FDB];
	_ =	sdelay $0x1  }
0x9f: {  	s20 =	simm.s32 $_scs_section_size  }
0xa0: {  	s5 =	simm.s32 $_size__tile_overlayer_lowered;
	s6 =	simm.s32 $_tile_overlayer_lowered  }
0xa1: {  	s23 =	simm.s32 $0x1BFF;
	s22 =	sshll.u32 s6, $0x1;
	s3 =	sadd.s32 s20, s19  }
0xa2: {  	s7 =	simm.s32 $0x0;
	s21 =	sshll.u32 s5, $0x1;
	s5 =	sadd.s32 s22, s3  }
0xa3: {  	[timem:s7], [sflag:s23] =	dma.local [hbm:s5], s21  }
0xa4: {  	_ =	swait.ge [sflag:s23], s21  }
0xa5: {  	s4 =	ssub.s32 $0x0, s21;
	[sflag:s23] =	ssyncset.done $0x0  }
0xa6: {  	[sflag:s23] =	ssyncadd.s32 s4;
	_ =	sdelay $0x1  }
0xa7: {  	s24 =	simm.s32 $0x1B8B  }
0xa8: {  	_ =	swait.ge [sflag:s24], $0x1  }
0xa9: {  	[sflag:s24] =	ssyncset.done $0x0  }
0xaa: {  	s25 =	simm.s32 $0x1B8E;
	[sflag:s24] =	ssyncadd.s32 $0xFFFFFFFF  }
0xab: {  	s26 =	simm.s32 $execute0_lowered;
	[smem:$0x3FD2] =	sst s25  }
0xac: {  	s4 =	sshll.u32 s26, $0x1;
	_ =	strace $0x80000046;
	[dreg:$0x1] =	wrdreg $0xFFFFFFFF  }
0xad: {  	s28 =	simm.s32 $_size_execute0_lowered;
	s3 =	sadd.s32 s3, s4;
	[dreg:$0x0] =	wrdreg $0x0  }
0xae: {  	s4 =	sshll.u32 s28, $0x1;
	[dreg:$0x2] =	wrdreg s3  }
0xaf: {  	[dreg:$0x3] =	wrdreg s4  }
0xb0: {  	[dreg:$0x4] =	wrdreg $0xC0  }
0xb1: {  	_ =	task [dreg:s7], $0x5FFFF  }
0xb2: {  	[dreg:$0x1] =	wrdreg $0xFFFFFFFF  }
0xb3: {  	[dreg:$0x0] =	wrdreg $0x60  }
0xb4: {  	[dreg:$0x2] =	wrdreg s17  }
0xb5: {  	[dreg:$0x3] =	wrdreg $0x9  }
0xb6: {  	_ =	task.clear_ibuf [dreg:s7], $0x4FFFF;
	_ =	strace $0x90000046  }
0xb7: {  	s29 =	simm.s32 $0x9;
	_ =	strace $0x80000048  }
0xb8: {  	_ =	swait.ge [sflag:s29], $0x1  }
0xb9: {  	[sflag:s29] =	ssyncadd.s32 $0xFFFFFFFF  }
0xba: {  	_ =	strace $0x90000048  }
0xbb: {  	_ =	sfence  }
0xbc: {  	s30 =	sld [smem:$0x0];
	_ =	sdelay $0x2  }
0xbd: {  	s31 =	sshll.u32 s1, $0xD;
	s1 =	sshrl.u32 s1, $0x2  }
0xbe: {  	s3 =	sand.u32 $0x4000, s31;
	s1 =	sadd.s32 s1, s30  }
0xbf: {  	s0 =	sor.u32 s3, s0;
	s1 =	sshll.u32 s1, $0x11  }
0xc0: {  	s0 =	sor.u32 s1, s0  }
0xc1: {  	s0 =	sadd.s32 $0x8F2B, s0  }
0xc2: {  	[sflag:s0] =	ssyncadd.remote.s32 $0x1  }
0xc3: {  	_ =	sfence.sel $0xFFFF  }
0xc4: {  	[dreg:$0x0] =	wrdreg $0xFFFFFFFF;
	(pc) =	sbr.abs _section_cstart, $3  }
0xc5: {  	[dreg:$0x1] =	wrdreg $0xFFFFFFFF  }
0xc6: {  	_ =	task.clear_ibuf [dreg:s7], $0x2FFFF;
	_ =	strace $0x9FFFFFFF  }
0xc7: {  	(tm) =	ssettm $0x7FFFFFFF  }
tec
execute0_lowered:
.L_overlay_start_1:
0x0: {  	(tag) =	ssettag $0x1  }
0x1: {  	s1 =	srdreg.scid;
	s0 =	stileid.u32  }
0x2: {  	s3 =	rddreg [dreg:$0x0];
	s4 =	sand.u32 $0x1, s1;
	s2 =	sshll.u32 s0, $0x1  }
0x3: {  	s9 =	simm.s32 $0x0;
	s1 =	rddreg [dreg:$0x1];
	s8 =	sor.u32 s4, s2  }
.Ltmp0:
0x4: {  	s2 =	simm.s32 $0x0;
	s4 =	ssub.s32 $0x2, s4;
	(pc) =	sbr.rel .LBB2_1-.Ltmp0, $4  }
0x5: {  	s5 =	sshll.u32 s8, $0xE;
	[smem:$0x7FF] =	sst s2;
	s6 =	sshrl.u32 s4, $0x1  }
0x6: {  	p0 =	sne.s32 s8, $0x0;
	s8 =	simm.s32 $0x1;
	s3 =	sadd.s32 s3, s5  }
0x7: {  	v0 =	vimm.f32 $1.000000000e+00;
	vm0 =	vcmask $0x300;
	_ =	strace $0x80000047;
	s7 =	ssub.s32 s4, s6;
	s4 =	sadd.s32 $0x1000, s3  }
0x8: {  	v2 =	vimm.f32 $0.0e+00;
	v1 =	vsel vm0, $0x0, v0;
	s5 =	sadd.s32 $0x2000, s3;
	s6 =	sadd.s32 $0x3000, s3;
	s7 =	smax.u32 s7, $0x1  }
.LBB2_11:
0x9: {  	[hbm4b:s3+s2] =	stream.linear.scatter [tilespmem:s2], [sflag:$0x1], $0x8000, $0x38;
	[tilespmem:$0x8000] =	vst v63  }
0xa: {  	_ =	swait.ge [sflag:s8], $0x8000  }
0xb: {  	[sflag:s8] =	ssyncset.done $0x0  }
0xc: {  	[sflag:s8] =	ssyncadd.s32 $0xFFFF8000  }
.LBB2_12:
0xd: {  	[hbm4b:s4+s2] =	stream.linear.scatter [tilespmem:s2], [sflag:$0x1], $0x8000, $0x38;
	[tilespmem:$0x8000] =	vst v63  }
0xe: {  	_ =	swait.ge [sflag:s8], $0x8000  }
0xf: {  	[sflag:s8] =	ssyncset.done $0x0  }
0x10: {  	[sflag:s8] =	ssyncadd.s32 $0xFFFF8000  }
0x11: {  	[hbm4b:s5+s2] =	stream.linear.scatter [tilespmem:s2], [sflag:$0x1], $0x8000, $0x38;
	[tilespmem:$0x8000] =	vst v63  }
0x12: {  	s9 =	sadd.s32 $0x1, s9;
	_ =	swait.ge [sflag:s8], $0x8000  }
0x13: {  	p1 =	sne.s32 s9, s7;
	[sflag:s8] =	ssyncset.done $0x0  }
.Ltmp1:
0x14: {  	[sflag:s8] =	ssyncadd.s32 $0xFFFF8000;
	(pc) =	sbr.rel @!p1 .LBB2_13-.Ltmp1, $4  }
0x15: {  	[hbm4b:s6+s2] =	stream.linear.scatter [tilespmem:s2], [sflag:$0x1], $0x8000, $0x38;
	[tilespmem:$0x8000] =	vst v63  }
0x16: {  	_ =	swait.ge [sflag:s8], $0x8000  }
0x17: {  	[sflag:s8] =	ssyncset.done $0x0  }
0x18: {  	[sflag:s8] =	ssyncadd.s32 $0xFFFF8000  }
.LBB2_1:
0x19: {  	s10 =	simm.s32 $0x0;
	s11 =	simm.s32 $0x0;
	s12 =	simm.s32 $0x0  }
.LBB2_2:
0x1a: {  	s13 =	sshll.u32 s11, $0x2;
	s14 =	sand.u32 $0x7, s10  }
0x1b: {  	s13 =	sand.u32 $0xFFFF0000, s13;
	s14 =	sshll.u32 s14, $0x9  }
0x1c: {  	s13 =	sor.u32 s14, s13  }
0x1d: {  	s13 =	sshrl.u32 s13, $0x2  }
0x1e: {  	s13 =	sor.u32 $0x40, s13  }
0x1f: {  	v3 =	vmov s13;
	_ =	sdelay $0x3  }
0x20: {  	s13 =	simm.s32 $0x0  }
0x21: {  	[tilespmem:v3+s13+$0xFFFFFFC0 ss:$0x1] =	vst.idx.msk $0xffff, v0  }
0x22: {  	s31 =	sshll.u32 s12, $0xB;
	s15 =	sshll.u32 s12, $0x7;
	[tilespmem:v3+s13+$0xFFFFFFD0 ss:$0x1] =	vst.idx.msk $0xffff, v0  }
0x23: {  	s15 =	sand.u32 $0x380, s15;
	s14 =	sand.u32 $0x4000, s31;
	[tilespmem:v3+s13+$0xFFFFFFE0 ss:$0x1] =	vst.idx.msk $0xffff, v0  }
0x24: {  	s14 =	sor.u32 s15, s14;
	s15 =	simm.s32 $0x1000;
	[tilespmem:v3+s13+$0xFFFFFFF0 ss:$0x1] =	vst.idx.msk $0xffff, v0  }
.LBB2_3:
0x25: {  	s16 =	sshra.s32 s15, $0x2;
	p1 =	sne.s32 s15, $0xF000;
	[tilespmem:v3+s13+$0x0 ss:$0x1] =	vst.idx.msk $0xffff, v0  }
0x26: {  	[tilespmem:v3+s16+$0xFFFFFFC0 ss:$0x1] =	vst.idx.msk $0xffff, v0  }
0x27: {  	[tilespmem:v3+s13+$0x10 ss:$0x1] =	vst.idx.msk $0xffff, v0  }
.Ltmp2:
0x28: {  	[tilespmem:v3+s13+$0x20 ss:$0x1] =	vst.idx.msk $0xffff, v0;
	(pc) =	sbr.rel @p1 .LBB2_3-.Ltmp2, $4  }
0x29: {  	[tilespmem:v3+s13+$0x30 ss:$0x1] =	vst.idx.msk $0xffff, v0;
	s13 =	smov.u32 s16  }
0x2a: {  	[tilespmem:v3+s13+$0xFFFFFFD0 ss:$0x1] =	vst.idx.msk $0xffff, v0  }
0x2b: {  	[tilespmem:v3+s13+$0xFFFFFFE0 ss:$0x1] =	vst.idx.msk $0xffff, v0  }
0x2c: {  	s15 =	sadd.s32 $0x1000, s15;
	[tilespmem:v3+s13+$0xFFFFFFF0 ss:$0x1] =	vst.idx.msk $0xffff, v0  }
0x2d: {  	_ =	sdelay $0x1  }
0x2e: {  	s12 =	sadd.s32 $0x1, s12  }
0x2f: {  	p1 =	sne.s32 s12, $0x10  }
.Ltmp3:
0x30: {  	[tilespmem:v3+s13+$0x0 ss:$0x1] =	vst.idx.msk $0xffff, v0;
	(pc) =	sbr.rel @p1 .LBB2_2-.Ltmp3, $4  }
0x31: {  	[tilespmem:v3+s13+$0x10 ss:$0x1] =	vst.idx.msk $0xffff, v0  }
0x32: {  	[tilespmem:v3+s13+$0x20 ss:$0x1] =	vst.idx.msk $0xffff, v0  }
0x33: {  	[tilespmem:v3+s13+$0x30 ss:$0x1] =	vst.idx.msk $0xffff, v0  }
0x34: {  	s11 =	sadd.s32 $0x800, s11;
	s10 =	sadd.s32 $0x1, s10;
	[tilespmem:s14+$0x0] =	vst v1  }
.Ltmp4:
0x35: {  	(pc) =	sbr.rel @p0 .LBB2_11-.Ltmp4, $1  }
0x36: {  	_ =	sdelay $0x3  }
0x37: {  	s10 =	simm.s32 $0x0;
	s11 =	simm.s32 $0x1000  }
.LBB2_7:
0x38: {  	p1 =	sne.s32 s11, $0xF000;
	[tilespmem:s10+$0x70] =	vst v2  }
0x39: {  	[tilespmem:s10+$0x0] =	vst v2  }
0x3a: {  	[tilespmem:s10+$0x10] =	vst v2  }
.Ltmp5:
0x3b: {  	[tilespmem:s10+$0x20] =	vst v2;
	(pc) =	sbr.rel @p1 .LBB2_7-.Ltmp5, $4  }
0x3c: {  	[tilespmem:s10+$0x30] =	vst v2  }
0x3d: {  	[tilespmem:s10+$0x40] =	vst v2  }
0x3e: {  	[tilespmem:s10+$0x50] =	vst v2  }
0x3f: {  	[tilespmem:s10+$0x60] =	vst v2;
	s10 =	sshra.s32 s11, $0x2;
	s11 =	sadd.s32 $0x1000, s11  }
0x40: {  	[tilespmem:s10+$0x70] =	vst v2  }
0x41: {  	[tilespmem:s10+$0x0] =	vst v2  }
0x42: {  	[tilespmem:s10+$0x10] =	vst v2  }
0x43: {  	[tilespmem:s10+$0x20] =	vst v2  }
0x44: {  	[tilespmem:s10+$0x30] =	vst v2  }
0x45: {  	[tilespmem:s10+$0x40] =	vst v2  }
0x46: {  	[tilespmem:s10+$0x50] =	vst v2  }
0x47: {  	[tilespmem:s10+$0x60] =	vst v2  }
0x48: {  	s31 =	simm.s32 $0x0;
	[tilespmem:$0x0] =	vst v2  }
0x49: {  	[hbm4b:s3+s31] =	stream.linear.scatter [tilespmem:s31], [sflag:$0x1], $0x8000, $0x38;
	[tilespmem:$0x8000] =	vst v63  }
0x4a: {  	_ =	swait.ge [sflag:s8], $0x8000  }
0x4b: {  	[sflag:s8] =	ssyncset.done $0x0  }
0x4c: {  	s10 =	simm.s32 $0x0;
	s11 =	simm.s32 $0x1000;
	[sflag:s8] =	ssyncadd.s32 $0xFFFF8000  }
.LBB2_9:
0x4d: {  	p1 =	sne.s32 s11, $0xF000;
	[tilespmem:s10+$0x70] =	vst v0  }
0x4e: {  	[tilespmem:s10+$0x0] =	vst v0  }
0x4f: {  	[tilespmem:s10+$0x10] =	vst v0  }
.Ltmp6:
0x50: {  	[tilespmem:s10+$0x20] =	vst v0;
	(pc) =	sbr.rel @p1 .LBB2_9-.Ltmp6, $4  }
0x51: {  	[tilespmem:s10+$0x30] =	vst v0  }
0x52: {  	[tilespmem:s10+$0x40] =	vst v0  }
0x53: {  	[tilespmem:s10+$0x50] =	vst v0  }
0x54: {  	[tilespmem:s10+$0x60] =	vst v0;
	s10 =	sshra.s32 s11, $0x2;
	s11 =	sadd.s32 $0x1000, s11  }
0x55: {  	[tilespmem:s10+$0x70] =	vst v0  }
0x56: {  	[tilespmem:s10+$0x0] =	vst v0  }
0x57: {  	[tilespmem:s10+$0x10] =	vst v0  }
0x58: {  	[tilespmem:s10+$0x20] =	vst v0  }
.Ltmp7:
0x59: {  	[tilespmem:s10+$0x30] =	vst v0;
	(pc) =	sbr.rel .LBB2_12-.Ltmp7, $4  }
0x5a: {  	[tilespmem:s10+$0x40] =	vst v0  }
0x5b: {  	[tilespmem:s10+$0x50] =	vst v0  }
0x5c: {  	[tilespmem:s10+$0x60] =	vst v0  }
0x5d: {  	[tilespmem:$0x0] =	vst v1  }
.LBB2_13:
0x5e: {  	_ =	sfence.sel $0x180000  }
0x5f: {  	[bflag:$0x0] =	sbarrier.arrive $0xFFFF  }
0x60: {  	p0 =	sne.s32 s0, $0x0;
	_ =	strace $0x90000047  }
0x61: {  	s0 =	sadd.s32 @!p0 $0x100000, s1;
	[bflag:$0x2] =	sbarrier.arrive $0xFFFF  }
0x62: {  	[sflag:s0] =	ssyncadd.tile.s32 @!p0 $0x1;
	_ =	shalt  }
.Lfunc_end2:
_tile_overlayer_lowered:
.L_overlay_start_2:
0x63: {  	(tag) =	ssettag $0x2  }
0x64: {  	s0 =	rddreg [dreg:$0x0];
	s2 =	stileid.u32  }
0x65: {  	s1 =	rddreg [dreg:$0x1];
	p0 =	sne.s32 s2, $0x0  }
0x66: {  	s3 =	rddreg [dreg:$0x2];
	[bflag:$0x3] =	sbarrier.arrive $0xFFFF;
	s2 =	simm.s32 @!p0 $0x1C01  }
0x67: {  	[timem:s3], [sflag:s2] =	dma.local @!p0 [hbm:s0], s1  }
0x68: {  	s0 =	simm.s32 @!p0 $0x1  }
0x69: {  	_ =	swait.ge @!p0 [sflag:s0], s1  }
0x6a: {  	s1 =	ssub.s32 @!p0 $0x0, s1;
	[sflag:s0] =	ssyncset.done @!p0 $0x0  }
0x6b: {  	[sflag:s0] =	ssyncadd.s32 @!p0 s1  }
0x6c: {  	[bflag:$0x3] =	sbarrier.arrive $0xFFFF  }
0x6d: {  	_ =	shalt  }

</sc_bundles>
